<compile_context>
chip_gen: v7x
topology: tpu7x:2x2x1
jax: 0.10.2.dev20260603
libtpu: 0.0.44.dev20260713+nightly
codegen_flags: <defaults>
</compile_context>

<pallas_src>
import functools

import jax
import jax.numpy as jnp
from jax import lax
from jax.experimental import pallas as pl
from jax.experimental.pallas import tpu as pltpu
from jax.experimental.pallas import tpu_sc as plsc

B = 16384
D = 4096
NW = 32
BPW = B // NW
W = 8
NCHUNK = BPW // W

_mesh = plsc.VectorSubcoreMesh(core_axis_name="c", subcore_axis_name="s")


@functools.partial(
    pl.kernel,
    mesh=_mesh,
    out_type=jax.ShapeDtypeStruct((B, D), jnp.float32),
    scratch_types=[
        pltpu.VMEM((NCHUNK, W), jnp.int32),
        pltpu.VMEM((W, D), jnp.float32),
        pltpu.VMEM((W, D), jnp.float32),
        pltpu.VMEM((W, D), jnp.float32),
        pltpu.SemaphoreType.DMA,
        pltpu.SemaphoreType.DMA,
        pltpu.SemaphoreType.DMA,
    ],
)
def _sc_gather(idx_hbm, table_hbm, out_hbm, idx_v, row0, row1, row2,
               semg0, semg1, semg2):
    bufs = (row0, row1, row2)
    semg = (semg0, semg1, semg2)
    wid = lax.axis_index("s") * 2 + lax.axis_index("c")
    base = wid * BPW
    pltpu.sync_copy(idx_hbm.at[wid], idx_v)

    def gather(c, b):
        pltpu.async_copy(table_hbm.at[idx_v.at[c]], bufs[b], semg[b])

    def wait_gather(c, b):
        pltpu.make_async_copy(table_hbm.at[idx_v.at[c]], bufs[b], semg[b]).wait()

    def write_sync(c, b):
        pltpu.sync_copy(bufs[b], out_hbm.at[pl.ds(base + c * W, W)])

    gather(0, 0)
    gather(1, 1)
    gather(2, 2)

    nf = NCHUNK // 3 - 1

    def body(c3, carry):
        for b in range(3):
            cb = c3 * 3 + b
            wait_gather(cb, b)
            write_sync(cb, b)
            gather(cb + 3, b)
        return carry

    lax.fori_loop(0, nf, body, 0)

    for cb in range(3 * nf, NCHUNK):
        b = cb % 3
        wait_gather(cb, b)
        write_sync(cb, b)
        if cb + 3 < NCHUNK:
            gather(cb + 3, b)


def kernel(positions, weight):
    shape = positions.shape
    idx = positions.reshape(NW, NCHUNK, W).astype(jnp.int32)
    out = _sc_gather(idx, weight)
    return out.reshape(*shape, D)

# --- scband reference (transcript-rebuilt; emitter-appended) ---
"""Pipeline reference for scband-pos-embedding-16389595202035 (READ-ONLY COPY).

The authoritative reference and input builder live on the scoring server;
editing this copy changes nothing except your own understanding.
"""

import jax, jax.numpy as jnp
import numpy as np

MAX_SEQLEN = 8192
DIM = 4096


def pos_embedding(max_seqlen, dim, base=10000.0):
    pos = jnp.arange(max_seqlen, dtype=jnp.float32)[:, None]
    dims = jnp.arange(dim, dtype=jnp.float32)
    i = (dims / 2.0).astype(jnp.int32)
    deno = jnp.power(base, 2.0 * i.astype(jnp.float32) / dim)
    theta = pos / deno
    # NOTE: faithful to the original torch code, which indexes ROWS of theta
    # (positions dimension) with arange(0, dim, 2) / arange(1, dim, 2).
    idxs_even = jnp.arange(0, dim, 2)
    theta = theta.at[idxs_even].set(jnp.sin(theta[idxs_even]))
    idxs_odd = jnp.arange(1, dim, 2)
    theta = theta.at[idxs_odd].set(jnp.cos(theta[idxs_odd]))
    return theta


def setup_inputs(seed: int = 0) -> dict:
    key = jax.random.key(seed)
    positions = jax.random.randint(key, (2, 8192), 0, MAX_SEQLEN, dtype=jnp.int32).astype(jnp.int64)
    weight = pos_embedding(MAX_SEQLEN, DIM)
    return {"positions": positions, "weight": weight}


def reference(positions, weight):
    # forward: self.weight[positions]
    return jnp.take(weight, positions, axis=0)

if __name__ == "__main__":
    import jax
    _d = setup_inputs()
    print(jax.jit(kernel)(*tuple(_d.values())))

</pallas_src>

<mosaic_0001>
#map = affine_map<(d0, d1) -> (0, 0, 0)>
#map1 = affine_map<(d0, d1) -> (0, 0)>
module attributes {stable_mosaic.version = 14 : i64} {
  func.func @_sc_gather(%arg0: i32, %arg1: i32, %arg2: memref<32x64x8xi32, #tpu.memory_space<hbm>>, %arg3: memref<8192x4096xf32, #tpu.memory_space<hbm>>, %arg4: memref<16384x4096xf32, #tpu.memory_space<hbm>>, %arg5: memref<64x8xi32, #tpu.memory_space<vmem>>, %arg6: memref<8x4096xf32, #tpu.memory_space<vmem>>, %arg7: memref<8x4096xf32, #tpu.memory_space<vmem>>, %arg8: memref<8x4096xf32, #tpu.memory_space<vmem>>, %arg9: memref<!tpu.dma_semaphore, #tpu.memory_space<semaphore_mem>>, %arg10: memref<!tpu.dma_semaphore, #tpu.memory_space<semaphore_mem>>, %arg11: memref<!tpu.dma_semaphore, #tpu.memory_space<semaphore_mem>>) attributes {dimension_semantics = [#tpu.dimension_semantics<core_parallel>, #tpu.dimension_semantics<subcore_parallel>], iteration_bounds = array<i64: 2, 16>, scalar_prefetch = 0 : i64, scratch_operands = 7 : i64, tpu.core_type = #tpu.core_type<sc_vector_subcore>, window_params = [{transform_indices = #map}, {transform_indices = #map1}, {transform_indices = #map1}]} {
    %mul3A = arith.constant 2 : i32
    %mul3A_0 = arith.muli %arg1, %mul3A : i32
    %add3A = arith.addi %mul3A_0, %arg0 : i32
    %mul3A_1 = arith.constant 512 : i32
    %mul3A_2 = arith.muli %add3A, %mul3A_1 : i32
    "tpu.region"() ({
      %run_scoped3A = tpu.sem_alloc : memref<!tpu.dma_semaphore, #tpu.memory_space<semaphore_mem>>
      %dma_start3A_70 = arith.constant 0 : i32
      %dma_start3A_71 = arith.constant 0 : i32
      %dma_start3A_72 = tpu.memref_slice %arg2[%add3A, %dma_start3A_70, %dma_start3A_71] : memref<32x64x8xi32, #tpu.memory_space<hbm>> -> memref<1x64x8xi32, #tpu.memory_space<hbm>>
      %dma_start3A_73 = tpu.memref_squeeze %dma_start3A_72 : memref<1x64x8xi32, #tpu.memory_space<hbm>> -> memref<64x8xi32, #tpu.memory_space<hbm>>
      %dma_start3A_74 = arith.constant 0 : i32
      %dma_start3A_75 = arith.constant 0 : i32
      %dma_start3A_76 = tpu.memref_slice %arg2[%add3A, %dma_start3A_74, %dma_start3A_75] : memref<32x64x8xi32, #tpu.memory_space<hbm>> -> memref<1x64x8xi32, #tpu.memory_space<hbm>>
      %dma_start3A_77 = tpu.memref_squeeze %dma_start3A_76 : memref<1x64x8xi32, #tpu.memory_space<hbm>> -> memref<64x8xi32, #tpu.memory_space<hbm>>
      tpu.enqueue_dma source(%dma_start3A_77 : memref<64x8xi32, #tpu.memory_space<hbm>>) target(%arg5 : memref<64x8xi32, #tpu.memory_space<vmem>>) target_semaphore(%run_scoped3A : memref<!tpu.dma_semaphore, #tpu.memory_space<semaphore_mem>>)
      %dma_wait3A_78 = arith.constant 0 : i32
      %dma_wait3A_79 = arith.constant 0 : i32
      %dma_wait3A_80 = tpu.memref_slice %arg2[%add3A, %dma_wait3A_78, %dma_wait3A_79] : memref<32x64x8xi32, #tpu.memory_space<hbm>> -> memref<1x64x8xi32, #tpu.memory_space<hbm>>
      %dma_wait3A_81 = tpu.memref_squeeze %dma_wait3A_80 : memref<1x64x8xi32, #tpu.memory_space<hbm>> -> memref<64x8xi32, #tpu.memory_space<hbm>>
      %dma_wait3A_82 = arith.constant 0 : i32
      %dma_wait3A_83 = arith.constant 0 : i32
      %dma_wait3A_84 = tpu.memref_slice %arg2[%add3A, %dma_wait3A_82, %dma_wait3A_83] : memref<32x64x8xi32, #tpu.memory_space<hbm>> -> memref<1x64x8xi32, #tpu.memory_space<hbm>>
      %dma_wait3A_85 = tpu.memref_squeeze %dma_wait3A_84 : memref<1x64x8xi32, #tpu.memory_space<hbm>> -> memref<64x8xi32, #tpu.memory_space<hbm>>
      tpu.wait_dma2 semaphore(%run_scoped3A : memref<!tpu.dma_semaphore, #tpu.memory_space<semaphore_mem>>) src(%dma_wait3A_85 : memref<64x8xi32, #tpu.memory_space<hbm>>) dst(%arg5 : memref<64x8xi32, #tpu.memory_space<vmem>>)
      tpu.yield
    }) : () -> ()
    %dma_start3A = arith.constant 0 : i32
    %dma_start3A_3 = arith.constant 0 : i32
    %dma_start3A_4 = tpu.memref_slice %arg5[%dma_start3A, %dma_start3A_3] : memref<64x8xi32, #tpu.memory_space<vmem>> -> memref<1x8xi32, #tpu.memory_space<vmem>>
    %dma_start3A_5 = tpu.memref_squeeze %dma_start3A_4 : memref<1x8xi32, #tpu.memory_space<vmem>> -> memref<8xi32, #tpu.memory_space<vmem>>
    %dma_start3A_6 = arith.constant 0 : i32
    %dma_start3A_7 = arith.constant 0 : i32
    %dma_start3A_8 = tpu.memref_slice %arg3[%dma_start3A_6, %dma_start3A_7] : memref<8192x4096xf32, #tpu.memory_space<hbm>> -> memref<8192x4096xf32, #tpu.memory_space<hbm>>
    tpu.enqueue_indirect_dma source(%dma_start3A_8 : memref<8192x4096xf32, #tpu.memory_space<hbm>>) target(%arg6 : memref<8x4096xf32, #tpu.memory_space<vmem>>) offsets(%dma_start3A_5 : memref<8xi32, #tpu.memory_space<vmem>>) semaphore(%arg9 : memref<!tpu.dma_semaphore, #tpu.memory_space<semaphore_mem>>)
    %dma_start3A_9 = arith.constant 1 : i32
    %dma_start3A_10 = arith.constant 0 : i32
    %dma_start3A_11 = tpu.memref_slice %arg5[%dma_start3A_9, %dma_start3A_10] : memref<64x8xi32, #tpu.memory_space<vmem>> -> memref<1x8xi32, #tpu.memory_space<vmem>>
    %dma_start3A_12 = tpu.memref_squeeze %dma_start3A_11 : memref<1x8xi32, #tpu.memory_space<vmem>> -> memref<8xi32, #tpu.memory_space<vmem>>
    %dma_start3A_13 = arith.constant 0 : i32
    %dma_start3A_14 = arith.constant 0 : i32
    %dma_start3A_15 = tpu.memref_slice %arg3[%dma_start3A_13, %dma_start3A_14] : memref<8192x4096xf32, #tpu.memory_space<hbm>> -> memref<8192x4096xf32, #tpu.memory_space<hbm>>
    tpu.enqueue_indirect_dma source(%dma_start3A_15 : memref<8192x4096xf32, #tpu.memory_space<hbm>>) target(%arg7 : memref<8x4096xf32, #tpu.memory_space<vmem>>) offsets(%dma_start3A_12 : memref<8xi32, #tpu.memory_space<vmem>>) semaphore(%arg10 : memref<!tpu.dma_semaphore, #tpu.memory_space<semaphore_mem>>)
    %dma_start3A_16 = arith.constant 2 : i32
    %dma_start3A_17 = arith.constant 0 : i32
    %dma_start3A_18 = tpu.memref_slice %arg5[%dma_start3A_16, %dma_start3A_17] : memref<64x8xi32, #tpu.memory_space<vmem>> -> memref<1x8xi32, #tpu.memory_space<vmem>>
    %dma_start3A_19 = tpu.memref_squeeze %dma_start3A_18 : memref<1x8xi32, #tpu.memory_space<vmem>> -> memref<8xi32, #tpu.memory_space<vmem>>
    %dma_start3A_20 = arith.constant 0 : i32
    %dma_start3A_21 = arith.constant 0 : i32
    %dma_start3A_22 = tpu.memref_slice %arg3[%dma_start3A_20, %dma_start3A_21] : memref<8192x4096xf32, #tpu.memory_space<hbm>> -> memref<8192x4096xf32, #tpu.memory_space<hbm>>
    tpu.enqueue_indirect_dma source(%dma_start3A_22 : memref<8192x4096xf32, #tpu.memory_space<hbm>>) target(%arg8 : memref<8x4096xf32, #tpu.memory_space<vmem>>) offsets(%dma_start3A_19 : memref<8xi32, #tpu.memory_space<vmem>>) semaphore(%arg11 : memref<!tpu.dma_semaphore, #tpu.memory_space<semaphore_mem>>)
    %scan3A = arith.constant 0 : i32
    %scan3A_23 = arith.constant 0 : i32
    %scan3A_24 = arith.constant 20 : i32
    %scan3A_25 = arith.addi %scan3A_23, %scan3A_24 : i32
    %scan3A_26 = arith.constant 1 : i32
    scf.for %scan3A_70 = %scan3A_23 to %scan3A_25 step %scan3A_26  : i32 {
      %mul3A_71 = arith.constant 3 : i32
      %mul3A_72 = arith.muli %scan3A_70, %mul3A_71 : i32
      %add3A_73 = arith.constant 0 : i32
      %add3A_74 = arith.addi %mul3A_72, %add3A_73 : i32
      %dma_wait3A_75 = arith.constant 0 : i32
      %dma_wait3A_76 = tpu.memref_slice %arg5[%add3A_74, %dma_wait3A_75] : memref<64x8xi32, #tpu.memory_space<vmem>> -> memref<1x8xi32, #tpu.memory_space<vmem>>
      %dma_wait3A_77 = tpu.memref_squeeze %dma_wait3A_76 : memref<1x8xi32, #tpu.memory_space<vmem>> -> memref<8xi32, #tpu.memory_space<vmem>>
      %dma_wait3A_78 = arith.constant 0 : i32
      %dma_wait3A_79 = arith.constant 0 : i32
      %dma_wait3A_80 = tpu.memref_slice %arg3[%dma_wait3A_78, %dma_wait3A_79] : memref<8192x4096xf32, #tpu.memory_space<hbm>> -> memref<8192x4096xf32, #tpu.memory_space<hbm>>
      tpu.wait_indirect_dma semaphore(%arg9 : memref<!tpu.dma_semaphore, #tpu.memory_space<semaphore_mem>>) src(%dma_wait3A_80 : memref<8192x4096xf32, #tpu.memory_space<hbm>>) dst(%arg6 : memref<8x4096xf32, #tpu.memory_space<vmem>>)
      %mul3A_81 = arith.constant 8 : i32
      %mul3A_82 = arith.muli %add3A_74, %mul3A_81 : i32
      %add3A_83 = arith.addi %mul3A_2, %mul3A_82 : i32
      "tpu.region"() ({
        %run_scoped3A = tpu.sem_alloc : memref<!tpu.dma_semaphore, #tpu.memory_space<semaphore_mem>>
        %dma_start3A_134 = arith.constant 0 : i32
        %dma_start3A_135 = tpu.memref_slice %arg4[%add3A_83, %dma_start3A_134] : memref<16384x4096xf32, #tpu.memory_space<hbm>> -> memref<8x4096xf32, #tpu.memory_space<hbm>>
        %dma_start3A_136 = arith.constant 0 : i32
        %dma_start3A_137 = tpu.memref_slice %arg4[%add3A_83, %dma_start3A_136] : memref<16384x4096xf32, #tpu.memory_space<hbm>> -> memref<8x4096xf32, #tpu.memory_space<hbm>>
        tpu.enqueue_dma source(%arg6 : memref<8x4096xf32, #tpu.memory_space<vmem>>) target(%dma_start3A_137 : memref<8x4096xf32, #tpu.memory_space<hbm>>) target_semaphore(%run_scoped3A : memref<!tpu.dma_semaphore, #tpu.memory_space<semaphore_mem>>)
        %dma_wait3A_138 = arith.constant 0 : i32
        %dma_wait3A_139 = tpu.memref_slice %arg4[%add3A_83, %dma_wait3A_138] : memref<16384x4096xf32, #tpu.memory_space<hbm>> -> memref<8x4096xf32, #tpu.memory_space<hbm>>
        %dma_wait3A_140 = arith.constant 0 : i32
        %dma_wait3A_141 = tpu.memref_slice %arg4[%add3A_83, %dma_wait3A_140] : memref<16384x4096xf32, #tpu.memory_space<hbm>> -> memref<8x4096xf32, #tpu.memory_space<hbm>>
        tpu.wait_dma2 semaphore(%run_scoped3A : memref<!tpu.dma_semaphore, #tpu.memory_space<semaphore_mem>>) src(%arg6 : memref<8x4096xf32, #tpu.memory_space<vmem>>) dst(%dma_wait3A_141 : memref<8x4096xf32, #tpu.memory_space<hbm>>)
        tpu.yield
      }) : () -> ()
      %add3A_84 = arith.constant 3 : i32
      %add3A_85 = arith.addi %add3A_74, %add3A_84 : i32
      %dma_start3A_86 = arith.constant 0 : i32
      %dma_start3A_87 = tpu.memref_slice %arg5[%add3A_85, %dma_start3A_86] : memref<64x8xi32, #tpu.memory_space<vmem>> -> memref<1x8xi32, #tpu.memory_space<vmem>>
      %dma_start3A_88 = tpu.memref_squeeze %dma_start3A_87 : memref<1x8xi32, #tpu.memory_space<vmem>> -> memref<8xi32, #tpu.memory_space<vmem>>
      %dma_start3A_89 = arith.constant 0 : i32
      %dma_start3A_90 = arith.constant 0 : i32
      %dma_start3A_91 = tpu.memref_slice %arg3[%dma_start3A_89, %dma_start3A_90] : memref<8192x4096xf32, #tpu.memory_space<hbm>> -> memref<8192x4096xf32, #tpu.memory_space<hbm>>
      tpu.enqueue_indirect_dma source(%dma_start3A_91 : memref<8192x4096xf32, #tpu.memory_space<hbm>>) target(%arg6 : memref<8x4096xf32, #tpu.memory_space<vmem>>) offsets(%dma_start3A_88 : memref<8xi32, #tpu.memory_space<vmem>>) semaphore(%arg9 : memref<!tpu.dma_semaphore, #tpu.memory_space<semaphore_mem>>)
      %mul3A_92 = arith.constant 3 : i32
      %mul3A_93 = arith.muli %scan3A_70, %mul3A_92 : i32
      %add3A_94 = arith.constant 1 : i32
      %add3A_95 = arith.addi %mul3A_93, %add3A_94 : i32
      %dma_wait3A_96 = arith.constant 0 : i32
      %dma_wait3A_97 = tpu.memref_slice %arg5[%add3A_95, %dma_wait3A_96] : memref<64x8xi32, #tpu.memory_space<vmem>> -> memref<1x8xi32, #tpu.memory_space<vmem>>
      %dma_wait3A_98 = tpu.memref_squeeze %dma_wait3A_97 : memref<1x8xi32, #tpu.memory_space<vmem>> -> memref<8xi32, #tpu.memory_space<vmem>>
      %dma_wait3A_99 = arith.constant 0 : i32
      %dma_wait3A_100 = arith.constant 0 : i32
      %dma_wait3A_101 = tpu.memref_slice %arg3[%dma_wait3A_99, %dma_wait3A_100] : memref<8192x4096xf32, #tpu.memory_space<hbm>> -> memref<8192x4096xf32, #tpu.memory_space<hbm>>
      tpu.wait_indirect_dma semaphore(%arg10 : memref<!tpu.dma_semaphore, #tpu.memory_space<semaphore_mem>>) src(%dma_wait3A_101 : memref<8192x4096xf32, #tpu.memory_space<hbm>>) dst(%arg7 : memref<8x4096xf32, #tpu.memory_space<vmem>>)
      %mul3A_102 = arith.constant 8 : i32
      %mul3A_103 = arith.muli %add3A_95, %mul3A_102 : i32
      %add3A_104 = arith.addi %mul3A_2, %mul3A_103 : i32
      "tpu.region"() ({
        %run_scoped3A = tpu.sem_alloc : memref<!tpu.dma_semaphore, #tpu.memory_space<semaphore_mem>>
        %dma_start3A_134 = arith.constant 0 : i32
        %dma_start3A_135 = tpu.memref_slice %arg4[%add3A_104, %dma_start3A_134] : memref<16384x4096xf32, #tpu.memory_space<hbm>> -> memref<8x4096xf32, #tpu.memory_space<hbm>>
        %dma_start3A_136 = arith.constant 0 : i32
        %dma_start3A_137 = tpu.memref_slice %arg4[%add3A_104, %dma_start3A_136] : memref<16384x4096xf32, #tpu.memory_space<hbm>> -> memref<8x4096xf32, #tpu.memory_space<hbm>>
        tpu.enqueue_dma source(%arg7 : memref<8x4096xf32, #tpu.memory_space<vmem>>) target(%dma_start3A_137 : memref<8x4096xf32, #tpu.memory_space<hbm>>) target_semaphore(%run_scoped3A : memref<!tpu.dma_semaphore, #tpu.memory_space<semaphore_mem>>)
        %dma_wait3A_138 = arith.constant 0 : i32
        %dma_wait3A_139 = tpu.memref_slice %arg4[%add3A_104, %dma_wait3A_138] : memref<16384x4096xf32, #tpu.memory_space<hbm>> -> memref<8x4096xf32, #tpu.memory_space<hbm>>
        %dma_wait3A_140 = arith.constant 0 : i32
        %dma_wait3A_141 = tpu.memref_slice %arg4[%add3A_104, %dma_wait3A_140] : memref<16384x4096xf32, #tpu.memory_space<hbm>> -> memref<8x4096xf32, #tpu.memory_space<hbm>>
        tpu.wait_dma2 semaphore(%run_scoped3A : memref<!tpu.dma_semaphore, #tpu.memory_space<semaphore_mem>>) src(%arg7 : memref<8x4096xf32, #tpu.memory_space<vmem>>) dst(%dma_wait3A_141 : memref<8x4096xf32, #tpu.memory_space<hbm>>)
        tpu.yield
      }) : () -> ()
      %add3A_105 = arith.constant 3 : i32
      %add3A_106 = arith.addi %add3A_95, %add3A_105 : i32
      %dma_start3A_107 = arith.constant 0 : i32
      %dma_start3A_108 = tpu.memref_slice %arg5[%add3A_106, %dma_start3A_107] : memref<64x8xi32, #tpu.memory_space<vmem>> -> memref<1x8xi32, #tpu.memory_space<vmem>>
      %dma_start3A_109 = tpu.memref_squeeze %dma_start3A_108 : memref<1x8xi32, #tpu.memory_space<vmem>> -> memref<8xi32, #tpu.memory_space<vmem>>
      %dma_start3A_110 = arith.constant 0 : i32
      %dma_start3A_111 = arith.constant 0 : i32
      %dma_start3A_112 = tpu.memref_slice %arg3[%dma_start3A_110, %dma_start3A_111] : memref<8192x4096xf32, #tpu.memory_space<hbm>> -> memref<8192x4096xf32, #tpu.memory_space<hbm>>
      tpu.enqueue_indirect_dma source(%dma_start3A_112 : memref<8192x4096xf32, #tpu.memory_space<hbm>>) target(%arg7 : memref<8x4096xf32, #tpu.memory_space<vmem>>) offsets(%dma_start3A_109 : memref<8xi32, #tpu.memory_space<vmem>>) semaphore(%arg10 : memref<!tpu.dma_semaphore, #tpu.memory_space<semaphore_mem>>)
      %mul3A_113 = arith.constant 3 : i32
      %mul3A_114 = arith.muli %scan3A_70, %mul3A_113 : i32
      %add3A_115 = arith.constant 2 : i32
      %add3A_116 = arith.addi %mul3A_114, %add3A_115 : i32
      %dma_wait3A_117 = arith.constant 0 : i32
      %dma_wait3A_118 = tpu.memref_slice %arg5[%add3A_116, %dma_wait3A_117] : memref<64x8xi32, #tpu.memory_space<vmem>> -> memref<1x8xi32, #tpu.memory_space<vmem>>
      %dma_wait3A_119 = tpu.memref_squeeze %dma_wait3A_118 : memref<1x8xi32, #tpu.memory_space<vmem>> -> memref<8xi32, #tpu.memory_space<vmem>>
      %dma_wait3A_120 = arith.constant 0 : i32
      %dma_wait3A_121 = arith.constant 0 : i32
      %dma_wait3A_122 = tpu.memref_slice %arg3[%dma_wait3A_120, %dma_wait3A_121] : memref<8192x4096xf32, #tpu.memory_space<hbm>> -> memref<8192x4096xf32, #tpu.memory_space<hbm>>
      tpu.wait_indirect_dma semaphore(%arg11 : memref<!tpu.dma_semaphore, #tpu.memory_space<semaphore_mem>>) src(%dma_wait3A_122 : memref<8192x4096xf32, #tpu.memory_space<hbm>>) dst(%arg8 : memref<8x4096xf32, #tpu.memory_space<vmem>>)
      %mul3A_123 = arith.constant 8 : i32
      %mul3A_124 = arith.muli %add3A_116, %mul3A_123 : i32
      %add3A_125 = arith.addi %mul3A_2, %mul3A_124 : i32
      "tpu.region"() ({
        %run_scoped3A = tpu.sem_alloc : memref<!tpu.dma_semaphore, #tpu.memory_space<semaphore_mem>>
        %dma_start3A_134 = arith.constant 0 : i32
        %dma_start3A_135 = tpu.memref_slice %arg4[%add3A_125, %dma_start3A_134] : memref<16384x4096xf32, #tpu.memory_space<hbm>> -> memref<8x4096xf32, #tpu.memory_space<hbm>>
        %dma_start3A_136 = arith.constant 0 : i32
        %dma_start3A_137 = tpu.memref_slice %arg4[%add3A_125, %dma_start3A_136] : memref<16384x4096xf32, #tpu.memory_space<hbm>> -> memref<8x4096xf32, #tpu.memory_space<hbm>>
        tpu.enqueue_dma source(%arg8 : memref<8x4096xf32, #tpu.memory_space<vmem>>) target(%dma_start3A_137 : memref<8x4096xf32, #tpu.memory_space<hbm>>) target_semaphore(%run_scoped3A : memref<!tpu.dma_semaphore, #tpu.memory_space<semaphore_mem>>)
        %dma_wait3A_138 = arith.constant 0 : i32
        %dma_wait3A_139 = tpu.memref_slice %arg4[%add3A_125, %dma_wait3A_138] : memref<16384x4096xf32, #tpu.memory_space<hbm>> -> memref<8x4096xf32, #tpu.memory_space<hbm>>
        %dma_wait3A_140 = arith.constant 0 : i32
        %dma_wait3A_141 = tpu.memref_slice %arg4[%add3A_125, %dma_wait3A_140] : memref<16384x4096xf32, #tpu.memory_space<hbm>> -> memref<8x4096xf32, #tpu.memory_space<hbm>>
        tpu.wait_dma2 semaphore(%run_scoped3A : memref<!tpu.dma_semaphore, #tpu.memory_space<semaphore_mem>>) src(%arg8 : memref<8x4096xf32, #tpu.memory_space<vmem>>) dst(%dma_wait3A_141 : memref<8x4096xf32, #tpu.memory_space<hbm>>)
        tpu.yield
      }) : () -> ()
      %add3A_126 = arith.constant 3 : i32
      %add3A_127 = arith.addi %add3A_116, %add3A_126 : i32
      %dma_start3A_128 = arith.constant 0 : i32
      %dma_start3A_129 = tpu.memref_slice %arg5[%add3A_127, %dma_start3A_128] : memref<64x8xi32, #tpu.memory_space<vmem>> -> memref<1x8xi32, #tpu.memory_space<vmem>>
      %dma_start3A_130 = tpu.memref_squeeze %dma_start3A_129 : memref<1x8xi32, #tpu.memory_space<vmem>> -> memref<8xi32, #tpu.memory_space<vmem>>
      %dma_start3A_131 = arith.constant 0 : i32
      %dma_start3A_132 = arith.constant 0 : i32
      %dma_start3A_133 = tpu.memref_slice %arg3[%dma_start3A_131, %dma_start3A_132] : memref<8192x4096xf32, #tpu.memory_space<hbm>> -> memref<8192x4096xf32, #tpu.memory_space<hbm>>
      tpu.enqueue_indirect_dma source(%dma_start3A_133 : memref<8192x4096xf32, #tpu.memory_space<hbm>>) target(%arg8 : memref<8x4096xf32, #tpu.memory_space<vmem>>) offsets(%dma_start3A_130 : memref<8xi32, #tpu.memory_space<vmem>>) semaphore(%arg11 : memref<!tpu.dma_semaphore, #tpu.memory_space<semaphore_mem>>)
    }
    %scan3A_27 = arith.constant 20 : i32
    %dma_wait3A = arith.constant 60 : i32
    %dma_wait3A_28 = arith.constant 0 : i32
    %dma_wait3A_29 = tpu.memref_slice %arg5[%dma_wait3A, %dma_wait3A_28] : memref<64x8xi32, #tpu.memory_space<vmem>> -> memref<1x8xi32, #tpu.memory_space<vmem>>
    %dma_wait3A_30 = tpu.memref_squeeze %dma_wait3A_29 : memref<1x8xi32, #tpu.memory_space<vmem>> -> memref<8xi32, #tpu.memory_space<vmem>>
    %dma_wait3A_31 = arith.constant 0 : i32
    %dma_wait3A_32 = arith.constant 0 : i32
    %dma_wait3A_33 = tpu.memref_slice %arg3[%dma_wait3A_31, %dma_wait3A_32] : memref<8192x4096xf32, #tpu.memory_space<hbm>> -> memref<8192x4096xf32, #tpu.memory_space<hbm>>
    tpu.wait_indirect_dma semaphore(%arg9 : memref<!tpu.dma_semaphore, #tpu.memory_space<semaphore_mem>>) src(%dma_wait3A_33 : memref<8192x4096xf32, #tpu.memory_space<hbm>>) dst(%arg6 : memref<8x4096xf32, #tpu.memory_space<vmem>>)
    %add3A_34 = arith.constant 480 : i32
    %add3A_35 = arith.addi %mul3A_2, %add3A_34 : i32
    "tpu.region"() ({
      %run_scoped3A = tpu.sem_alloc : memref<!tpu.dma_semaphore, #tpu.memory_space<semaphore_mem>>
      %dma_start3A_70 = arith.constant 0 : i32
      %dma_start3A_71 = tpu.memref_slice %arg4[%add3A_35, %dma_start3A_70] : memref<16384x4096xf32, #tpu.memory_space<hbm>> -> memref<8x4096xf32, #tpu.memory_space<hbm>>
      %dma_start3A_72 = arith.constant 0 : i32
      %dma_start3A_73 = tpu.memref_slice %arg4[%add3A_35, %dma_start3A_72] : memref<16384x4096xf32, #tpu.memory_space<hbm>> -> memref<8x4096xf32, #tpu.memory_space<hbm>>
      tpu.enqueue_dma source(%arg6 : memref<8x4096xf32, #tpu.memory_space<vmem>>) target(%dma_start3A_73 : memref<8x4096xf32, #tpu.memory_space<hbm>>) target_semaphore(%run_scoped3A : memref<!tpu.dma_semaphore, #tpu.memory_space<semaphore_mem>>)
      %dma_wait3A_74 = arith.constant 0 : i32
      %dma_wait3A_75 = tpu.memref_slice %arg4[%add3A_35, %dma_wait3A_74] : memref<16384x4096xf32, #tpu.memory_space<hbm>> -> memref<8x4096xf32, #tpu.memory_space<hbm>>
      %dma_wait3A_76 = arith.constant 0 : i32
      %dma_wait3A_77 = tpu.memref_slice %arg4[%add3A_35, %dma_wait3A_76] : memref<16384x4096xf32, #tpu.memory_space<hbm>> -> memref<8x4096xf32, #tpu.memory_space<hbm>>
      tpu.wait_dma2 semaphore(%run_scoped3A : memref<!tpu.dma_semaphore, #tpu.memory_space<semaphore_mem>>) src(%arg6 : memref<8x4096xf32, #tpu.memory_space<vmem>>) dst(%dma_wait3A_77 : memref<8x4096xf32, #tpu.memory_space<hbm>>)
      tpu.yield
    }) : () -> ()
    %dma_start3A_36 = arith.constant 63 : i32
    %dma_start3A_37 = arith.constant 0 : i32
    %dma_start3A_38 = tpu.memref_slice %arg5[%dma_start3A_36, %dma_start3A_37] : memref<64x8xi32, #tpu.memory_space<vmem>> -> memref<1x8xi32, #tpu.memory_space<vmem>>
    %dma_start3A_39 = tpu.memref_squeeze %dma_start3A_38 : memref<1x8xi32, #tpu.memory_space<vmem>> -> memref<8xi32, #tpu.memory_space<vmem>>
    %dma_start3A_40 = arith.constant 0 : i32
    %dma_start3A_41 = arith.constant 0 : i32
    %dma_start3A_42 = tpu.memref_slice %arg3[%dma_start3A_40, %dma_start3A_41] : memref<8192x4096xf32, #tpu.memory_space<hbm>> -> memref<8192x4096xf32, #tpu.memory_space<hbm>>
    tpu.enqueue_indirect_dma source(%dma_start3A_42 : memref<8192x4096xf32, #tpu.memory_space<hbm>>) target(%arg6 : memref<8x4096xf32, #tpu.memory_space<vmem>>) offsets(%dma_start3A_39 : memref<8xi32, #tpu.memory_space<vmem>>) semaphore(%arg9 : memref<!tpu.dma_semaphore, #tpu.memory_space<semaphore_mem>>)
    %dma_wait3A_43 = arith.constant 61 : i32
    %dma_wait3A_44 = arith.constant 0 : i32
    %dma_wait3A_45 = tpu.memref_slice %arg5[%dma_wait3A_43, %dma_wait3A_44] : memref<64x8xi32, #tpu.memory_space<vmem>> -> memref<1x8xi32, #tpu.memory_space<vmem>>
    %dma_wait3A_46 = tpu.memref_squeeze %dma_wait3A_45 : memref<1x8xi32, #tpu.memory_space<vmem>> -> memref<8xi32, #tpu.memory_space<vmem>>
    %dma_wait3A_47 = arith.constant 0 : i32
    %dma_wait3A_48 = arith.constant 0 : i32
    %dma_wait3A_49 = tpu.memref_slice %arg3[%dma_wait3A_47, %dma_wait3A_48] : memref<8192x4096xf32, #tpu.memory_space<hbm>> -> memref<8192x4096xf32, #tpu.memory_space<hbm>>
    tpu.wait_indirect_dma semaphore(%arg10 : memref<!tpu.dma_semaphore, #tpu.memory_space<semaphore_mem>>) src(%dma_wait3A_49 : memref<8192x4096xf32, #tpu.memory_space<hbm>>) dst(%arg7 : memref<8x4096xf32, #tpu.memory_space<vmem>>)
    %add3A_50 = arith.constant 488 : i32
    %add3A_51 = arith.addi %mul3A_2, %add3A_50 : i32
    "tpu.region"() ({
      %run_scoped3A = tpu.sem_alloc : memref<!tpu.dma_semaphore, #tpu.memory_space<semaphore_mem>>
      %dma_start3A_70 = arith.constant 0 : i32
      %dma_start3A_71 = tpu.memref_slice %arg4[%add3A_51, %dma_start3A_70] : memref<16384x4096xf32, #tpu.memory_space<hbm>> -> memref<8x4096xf32, #tpu.memory_space<hbm>>
      %dma_start3A_72 = arith.constant 0 : i32
      %dma_start3A_73 = tpu.memref_slice %arg4[%add3A_51, %dma_start3A_72] : memref<16384x4096xf32, #tpu.memory_space<hbm>> -> memref<8x4096xf32, #tpu.memory_space<hbm>>
      tpu.enqueue_dma source(%arg7 : memref<8x4096xf32, #tpu.memory_space<vmem>>) target(%dma_start3A_73 : memref<8x4096xf32, #tpu.memory_space<hbm>>) target_semaphore(%run_scoped3A : memref<!tpu.dma_semaphore, #tpu.memory_space<semaphore_mem>>)
      %dma_wait3A_74 = arith.constant 0 : i32
      %dma_wait3A_75 = tpu.memref_slice %arg4[%add3A_51, %dma_wait3A_74] : memref<16384x4096xf32, #tpu.memory_space<hbm>> -> memref<8x4096xf32, #tpu.memory_space<hbm>>
      %dma_wait3A_76 = arith.constant 0 : i32
      %dma_wait3A_77 = tpu.memref_slice %arg4[%add3A_51, %dma_wait3A_76] : memref<16384x4096xf32, #tpu.memory_space<hbm>> -> memref<8x4096xf32, #tpu.memory_space<hbm>>
      tpu.wait_dma2 semaphore(%run_scoped3A : memref<!tpu.dma_semaphore, #tpu.memory_space<semaphore_mem>>) src(%arg7 : memref<8x4096xf32, #tpu.memory_space<vmem>>) dst(%dma_wait3A_77 : memref<8x4096xf32, #tpu.memory_space<hbm>>)
      tpu.yield
    }) : () -> ()
    %dma_wait3A_52 = arith.constant 62 : i32
    %dma_wait3A_53 = arith.constant 0 : i32
    %dma_wait3A_54 = tpu.memref_slice %arg5[%dma_wait3A_52, %dma_wait3A_53] : memref<64x8xi32, #tpu.memory_space<vmem>> -> memref<1x8xi32, #tpu.memory_space<vmem>>
    %dma_wait3A_55 = tpu.memref_squeeze %dma_wait3A_54 : memref<1x8xi32, #tpu.memory_space<vmem>> -> memref<8xi32, #tpu.memory_space<vmem>>
    %dma_wait3A_56 = arith.constant 0 : i32
    %dma_wait3A_57 = arith.constant 0 : i32
    %dma_wait3A_58 = tpu.memref_slice %arg3[%dma_wait3A_56, %dma_wait3A_57] : memref<8192x4096xf32, #tpu.memory_space<hbm>> -> memref<8192x4096xf32, #tpu.memory_space<hbm>>
    tpu.wait_indirect_dma semaphore(%arg11 : memref<!tpu.dma_semaphore, #tpu.memory_space<semaphore_mem>>) src(%dma_wait3A_58 : memref<8192x4096xf32, #tpu.memory_space<hbm>>) dst(%arg8 : memref<8x4096xf32, #tpu.memory_space<vmem>>)
    %add3A_59 = arith.constant 496 : i32
    %add3A_60 = arith.addi %mul3A_2, %add3A_59 : i32
    "tpu.region"() ({
      %run_scoped3A = tpu.sem_alloc : memref<!tpu.dma_semaphore, #tpu.memory_space<semaphore_mem>>
      %dma_start3A_70 = arith.constant 0 : i32
      %dma_start3A_71 = tpu.memref_slice %arg4[%add3A_60, %dma_start3A_70] : memref<16384x4096xf32, #tpu.memory_space<hbm>> -> memref<8x4096xf32, #tpu.memory_space<hbm>>
      %dma_start3A_72 = arith.constant 0 : i32
      %dma_start3A_73 = tpu.memref_slice %arg4[%add3A_60, %dma_start3A_72] : memref<16384x4096xf32, #tpu.memory_space<hbm>> -> memref<8x4096xf32, #tpu.memory_space<hbm>>
      tpu.enqueue_dma source(%arg8 : memref<8x4096xf32, #tpu.memory_space<vmem>>) target(%dma_start3A_73 : memref<8x4096xf32, #tpu.memory_space<hbm>>) target_semaphore(%run_scoped3A : memref<!tpu.dma_semaphore, #tpu.memory_space<semaphore_mem>>)
      %dma_wait3A_74 = arith.constant 0 : i32
      %dma_wait3A_75 = tpu.memref_slice %arg4[%add3A_60, %dma_wait3A_74] : memref<16384x4096xf32, #tpu.memory_space<hbm>> -> memref<8x4096xf32, #tpu.memory_space<hbm>>
      %dma_wait3A_76 = arith.constant 0 : i32
      %dma_wait3A_77 = tpu.memref_slice %arg4[%add3A_60, %dma_wait3A_76] : memref<16384x4096xf32, #tpu.memory_space<hbm>> -> memref<8x4096xf32, #tpu.memory_space<hbm>>
      tpu.wait_dma2 semaphore(%run_scoped3A : memref<!tpu.dma_semaphore, #tpu.memory_space<semaphore_mem>>) src(%arg8 : memref<8x4096xf32, #tpu.memory_space<vmem>>) dst(%dma_wait3A_77 : memref<8x4096xf32, #tpu.memory_space<hbm>>)
      tpu.yield
    }) : () -> ()
    %dma_wait3A_61 = arith.constant 63 : i32
    %dma_wait3A_62 = arith.constant 0 : i32
    %dma_wait3A_63 = tpu.memref_slice %arg5[%dma_wait3A_61, %dma_wait3A_62] : memref<64x8xi32, #tpu.memory_space<vmem>> -> memref<1x8xi32, #tpu.memory_space<vmem>>
    %dma_wait3A_64 = tpu.memref_squeeze %dma_wait3A_63 : memref<1x8xi32, #tpu.memory_space<vmem>> -> memref<8xi32, #tpu.memory_space<vmem>>
    %dma_wait3A_65 = arith.constant 0 : i32
    %dma_wait3A_66 = arith.constant 0 : i32
    %dma_wait3A_67 = tpu.memref_slice %arg3[%dma_wait3A_65, %dma_wait3A_66] : memref<8192x4096xf32, #tpu.memory_space<hbm>> -> memref<8192x4096xf32, #tpu.memory_space<hbm>>
    tpu.wait_indirect_dma semaphore(%arg9 : memref<!tpu.dma_semaphore, #tpu.memory_space<semaphore_mem>>) src(%dma_wait3A_67 : memref<8192x4096xf32, #tpu.memory_space<hbm>>) dst(%arg6 : memref<8x4096xf32, #tpu.memory_space<vmem>>)
    %add3A_68 = arith.constant 504 : i32
    %add3A_69 = arith.addi %mul3A_2, %add3A_68 : i32
    "tpu.region"() ({
      %run_scoped3A = tpu.sem_alloc : memref<!tpu.dma_semaphore, #tpu.memory_space<semaphore_mem>>
      %dma_start3A_70 = arith.constant 0 : i32
      %dma_start3A_71 = tpu.memref_slice %arg4[%add3A_69, %dma_start3A_70] : memref<16384x4096xf32, #tpu.memory_space<hbm>> -> memref<8x4096xf32, #tpu.memory_space<hbm>>
      %dma_start3A_72 = arith.constant 0 : i32
      %dma_start3A_73 = tpu.memref_slice %arg4[%add3A_69, %dma_start3A_72] : memref<16384x4096xf32, #tpu.memory_space<hbm>> -> memref<8x4096xf32, #tpu.memory_space<hbm>>
      tpu.enqueue_dma source(%arg6 : memref<8x4096xf32, #tpu.memory_space<vmem>>) target(%dma_start3A_73 : memref<8x4096xf32, #tpu.memory_space<hbm>>) target_semaphore(%run_scoped3A : memref<!tpu.dma_semaphore, #tpu.memory_space<semaphore_mem>>)
      %dma_wait3A_74 = arith.constant 0 : i32
      %dma_wait3A_75 = tpu.memref_slice %arg4[%add3A_69, %dma_wait3A_74] : memref<16384x4096xf32, #tpu.memory_space<hbm>> -> memref<8x4096xf32, #tpu.memory_space<hbm>>
      %dma_wait3A_76 = arith.constant 0 : i32
      %dma_wait3A_77 = tpu.memref_slice %arg4[%add3A_69, %dma_wait3A_76] : memref<16384x4096xf32, #tpu.memory_space<hbm>> -> memref<8x4096xf32, #tpu.memory_space<hbm>>
      tpu.wait_dma2 semaphore(%run_scoped3A : memref<!tpu.dma_semaphore, #tpu.memory_space<semaphore_mem>>) src(%arg6 : memref<8x4096xf32, #tpu.memory_space<vmem>>) dst(%dma_wait3A_77 : memref<8x4096xf32, #tpu.memory_space<hbm>>)
      tpu.yield
    }) : () -> ()
    return
  }
}

</mosaic_0001>

<sc_bundles>
// kernel: kernel.3.cloned.1.call-start
scs
__scs_entry_jumppad:
0x0: {  	(pc) =	sbr.rel $0x88, $3  }
0x1: {  	(tag) =	ssettag $0x0;
	lr =	simm.s32 $0x1  }
0x2: {  	[smem:$0x3F9F] =	sst lr;
	_ =	strace $0xD0000000  }
0x3: {  	_ = 	snop  }
0x4: {  	_ = 	snop  }
0x5: {  	_ = 	snop  }
0x6: {  	_ = 	snop  }
0x7: {  	_ = 	snop  }
__scs_overlays_trampoline_lowered:
0x8: {  	[smem:$0x3FAE] =	sst s0  }
0x9: {  	[smem:$0x3FAF] =	sst s1  }
0xa: {  	[smem:$0x3FB0] =	sst s2  }
0xb: {  	[smem:$0x3FB1] =	sst s3  }
0xc: {  	[smem:$0x3FB2] =	sst s4  }
0xd: {  	[smem:$0x3FB3] =	sst s5  }
0xe: {  	[smem:$0x3FB4] =	sst s6  }
0xf: {  	[smem:$0x3FB5] =	sst s7  }
0x10: {  	[smem:$0x3FB6] =	sst s8  }
0x11: {  	[smem:$0x3FB7] =	sst s9;
	s0 =	simm.s32 @!p0 $0x0  }
0x12: {  	s1 =	sld [smem:$0x3F9D];
	s0 =	simm.s32 @p0 $0x1  }
0x13: {  	[smem:$0x3FB8] =	sst s0;
	s0 =	simm.s32 @!p1 $0x0  }
0x14: {  	s2 =	sld [smem:$0x3F9C];
	s0 =	simm.s32 @p1 $0x1  }
0x15: {  	[smem:$0x3FB9] =	sst s0;
	s0 =	simm.s32 @!p2 $0x0  }
0x16: {  	s3 =	sld [smem:$0x3FDB];
	s0 =	simm.s32 @p2 $0x1  }
0x17: {  	s4 =	simm.s32 $0x1BF5;
	[smem:$0x3FBB] =	sst s0  }
0x18: {  	s0 =	sld [smem:$0x3F9E];
	_ =	swait.ge [sflag:s4], $0x0  }
0x19: {  	s7 =	sld [smem:$0x3F9F]  }
0x1a: {  	s8 =	sadd.s32 $0xFFFFE003, lr  }
0x1b: {  	s9 =	sadd.s32 $0xFFFFFEF7, lr;
	s5 =	simm.s32 $0xFFFFFFFF;
	p2 =	slt.u32 s8, $0xFFFFF086  }
0x1c: {  	p1 =	slt.u32 s9, $0xF7A;
	s5 =	simm.s32 @!p2 $0x0  }
0x1d: {  	s5 =	simm.s32 @p1 $0x1;
	p0 =	seq.s32 s7, s2  }
0x1e: {  	s7 =	smul.u32 @!p0 $0xF7A, s2;
	p2 =	seq.s32 @!p0 s5, $0x0  }
0x1f: {  	s9 =	smul.u32 $0xF7A, s1;
	s8 =	simm.s32 @!p0 $0x1BF5;
	p2 =	por !p2, p0  }
0x20: {  	[sflag:s8] =	ssyncset.s32 @!p0 $0xFFFFF086;
	s6 =	sadd.s32 @!p0 s3, s7;
	s7 =	simm.s32 @!p0 $0x108  }
0x21: {  	s3 =	sadd.s32 s3, s9;
	s6 =	sadd.s32 @!p0 $0x88, s6;
	s7 =	simm.s32 @p2 $0x1082  }
0x22: {  	[simem:s7], [sflag:s8] =	dma.local @!p0 [hbm:s6], $0xF7A  }
0x23: {  	s9 =	sor.u32 $0xD0000000, s2;
	s6 =	simm.s32 $0x108;
	_ =	swait.ge @!p0 [sflag:s8], $0x0  }
0x24: {  	s3 =	sadd.s32 $0x88, s3;
	s6 =	simm.s32 @!p1 $0x1082;
	[sflag:s4] =	ssyncset.s32 $0xFFFFF086  }
0x25: {  	[simem:s6], [sflag:s4] =	dma.local [hbm:s3], $0xF7A  }
0x26: {  	[smem:$0x3F9F] =	sst s1;
	(tag) =	ssettag s2;
	_ =	strace s9  }
0x27: {  	s1 =	sld [smem:$0x3FAF]  }
0x28: {  	s2 =	sld [smem:$0x3FB0]  }
0x29: {  	s4 =	sld [smem:$0x3FB2]  }
0x2a: {  	p0 =	seq.s32 s5, $0x0;
	s5 =	sld [smem:$0x3FB3]  }
0x2b: {  	s6 =	sld [smem:$0x3FB4]  }
0x2c: {  	s7 =	sld [smem:$0x3FB5]  }
0x2d: {  	s3 =	simm.s32 $0x108;
	s8 =	sld [smem:$0x3FB6]  }
0x2e: {  	s3 =	simm.s32 @!p0 $0x1082;
	s9 =	sld [smem:$0x3FB7]  }
0x2f: {  	lr =	sadd.s32 s0, s3;
	s0 =	sld [smem:$0x3FAE]  }
0x30: {  	s3 =	sld [smem:$0x3FB1]  }
0x31: {  	[smem:$0x3FBA] =	sst s10  }
0x32: {  	s10 =	sld [smem:$0x3FB8];
	_ =	sdelay $0x3  }
0x33: {  	p0 =	seq.s32 s10, $0x1;
	s10 =	sld [smem:$0x3FBA];
	_ =	sdelay $0x3  }
0x34: {  	[smem:$0x3FBA] =	sst s10  }
0x35: {  	s10 =	sld [smem:$0x3FB9];
	_ =	sdelay $0x3  }
0x36: {  	p1 =	seq.s32 s10, $0x1;
	s10 =	sld [smem:$0x3FBA];
	_ =	sdelay $0x3  }
0x37: {  	[smem:$0x3FBA] =	sst s10  }
0x38: {  	s10 =	sld [smem:$0x3FBB]  }
0x39: {  	_ = 	snop;
	(pc) =	sbr.ind lr, $3  }
0x3a: {  	_ = 	snop  }
0x3b: {  	_ = 	snop  }
0x3c: {  	p2 =	seq.s32 s10, $0x1;
	s10 =	sld [smem:$0x3FBA]  }
0x3d: {  	_ =	shalt  }
0x3e: {  	_ =	shalt  }
0x3f: {  	_ =	shalt  }
0x40: {  	_ =	shalt  }
0x41: {  	_ =	shalt  }
0x42: {  	_ =	shalt  }
0x43: {  	_ =	shalt  }
0x44: {  	_ =	shalt  }
0x45: {  	_ =	shalt  }
0x46: {  	_ =	shalt  }
0x47: {  	_ =	shalt  }
0x48: {  	_ =	shalt  }
0x49: {  	_ =	shalt  }
0x4a: {  	_ =	shalt  }
0x4b: {  	_ =	shalt  }
0x4c: {  	_ =	shalt  }
0x4d: {  	_ =	shalt  }
0x4e: {  	_ =	shalt  }
0x4f: {  	_ =	shalt  }
0x50: {  	_ =	shalt  }
0x51: {  	_ =	shalt  }
0x52: {  	_ =	shalt  }
0x53: {  	_ =	shalt  }
0x54: {  	_ =	shalt  }
0x55: {  	_ =	shalt  }
0x56: {  	_ =	shalt  }
0x57: {  	_ =	shalt  }
0x58: {  	_ =	shalt  }
0x59: {  	_ =	shalt  }
0x5a: {  	_ =	shalt  }
0x5b: {  	_ =	shalt  }
0x5c: {  	_ =	shalt  }
0x5d: {  	_ =	shalt  }
0x5e: {  	_ =	shalt  }
0x5f: {  	_ =	shalt  }
0x60: {  	_ =	shalt  }
0x61: {  	_ =	shalt  }
0x62: {  	_ =	shalt  }
0x63: {  	_ =	shalt  }
0x64: {  	_ =	shalt  }
0x65: {  	_ =	shalt  }
0x66: {  	_ =	shalt  }
0x67: {  	_ =	shalt  }
0x68: {  	_ =	shalt  }
0x69: {  	_ =	shalt  }
0x6a: {  	_ =	shalt  }
0x6b: {  	_ =	shalt  }
0x6c: {  	_ =	shalt  }
0x6d: {  	_ =	shalt  }
0x6e: {  	_ =	shalt  }
0x6f: {  	_ =	shalt  }
0x70: {  	_ =	shalt  }
0x71: {  	_ =	shalt  }
0x72: {  	_ =	shalt  }
0x73: {  	_ =	shalt  }
0x74: {  	_ =	shalt  }
0x75: {  	_ =	shalt  }
0x76: {  	_ =	shalt  }
0x77: {  	_ =	shalt  }
0x78: {  	_ =	shalt  }
0x79: {  	_ =	shalt  }
0x7a: {  	_ =	shalt  }
0x7b: {  	_ =	shalt  }
0x7c: {  	_ =	shalt  }
0x7d: {  	_ =	shalt  }
0x7e: {  	_ =	shalt  }
0x7f: {  	_ =	shalt  }
0x80: {  	_ =	shalt  }
0x81: {  	_ =	shalt  }
0x82: {  	_ =	shalt  }
0x83: {  	_ =	shalt  }
0x84: {  	_ =	shalt  }
0x85: {  	_ =	shalt  }
0x86: {  	_ =	shalt  }
0x87: {  	_ =	shalt  }
.Lfunc_end0:
.L_simem_size_0:
called_computation_lowered:
.L_overlay_start_0:
0x88: {  	s2 =	sld [smem:$0x3FD9]  }
0x89: {  	s3 =	sld [smem:$0x3FFE];
	_ =	sdelay $0x1  }
0x8a: {  	s1 =	srdreg.scid  }
0x8b: {  	s0 =	sand.u32 $0x1, s1  }
0x8c: {  	s17 =	sshll.u32 s0, $0xA;
	s2 =	sadd.s32 s3, s2  }
0x8d: {  	s2 =	sadd.s32 s2, s17  }
0x8e: {  	[smem:$0x3FC6] =	sst s2  }
0x8f: {  	_ = 	snop  }
0x90: {  	s2 =	sld [smem:$0x3FC8]  }
0x91: {  	s18 =	sld [smem:$0x3FD0];
	(tm) =	ssettm $0x1  }
0x92: {  	s4 =	sld [smem:$0x3FFB];
	_ =	sdelay $0x3  }
0x93: {  	_ =	strace s4  }
0x94: {  	s4 =	sld [smem:$0x3FFC];
	_ =	sdelay $0x3  }
0x95: {  	_ =	strace s4  }
0x96: {  	s4 =	sld [smem:$0x3FFD];
	_ =	sdelay $0x3  }
0x97: {  	_ =	strace s4  }
0x98: {  	_ =	strace $0x8FFFFFFF  }
0x99: {  	s19 =	sld [smem:$0x3FDB];
	_ =	sdelay $0x1  }
0x9a: {  	s5 =	simm.s32 $_scs_section_size  }
0x9b: {  	s6 =	simm.s32 $_size__tile_overlayer_lowered;
	s7 =	simm.s32 $_tile_overlayer_lowered  }
0x9c: {  	s22 =	simm.s32 $0x1BFF;
	s21 =	sshll.u32 s7, $0x1;
	s4 =	sadd.s32 s5, s19  }
0x9d: {  	s8 =	simm.s32 $0x0;
	s20 =	sshll.u32 s6, $0x1;
	s6 =	sadd.s32 s21, s4  }
0x9e: {  	[timem:s8], [sflag:s22] =	dma.local [hbm:s6], s20  }
0x9f: {  	_ =	swait.ge [sflag:s22], s20  }
0xa0: {  	s5 =	ssub.s32 $0x0, s20;
	[sflag:s22] =	ssyncset.done $0x0  }
0xa1: {  	[sflag:s22] =	ssyncadd.s32 s5;
	_ =	sdelay $0x1  }
0xa2: {  	s23 =	simm.s32 $0x1B8B  }
0xa3: {  	_ =	swait.ge [sflag:s23], $0x1  }
0xa4: {  	[sflag:s23] =	ssyncset.done $0x0  }
0xa5: {  	s25 =	simm.s32 $0x1B8E;
	s24 =	sld [smem:$0x3FFE];
	[sflag:s23] =	ssyncadd.s32 $0xFFFFFFFF  }
0xa6: {  	s26 =	simm.s32 $execute0_lowered;
	[smem:$0x3FD2] =	sst s25  }
0xa7: {  	s6 =	sshll.u32 s26, $0x1;
	_ =	strace $0x80000046;
	[dreg:$0x1] =	wrdreg $0xFFFFFFFF  }
0xa8: {  	s28 =	simm.s32 $_size_execute0_lowered;
	s4 =	sadd.s32 s4, s6;
	[dreg:$0x0] =	wrdreg $0x0  }
0xa9: {  	s6 =	sshll.u32 s28, $0x1;
	[dreg:$0x2] =	wrdreg s4  }
0xaa: {  	[dreg:$0x3] =	wrdreg s6  }
0xab: {  	[dreg:$0x4] =	wrdreg $0xC0  }
0xac: {  	_ =	task [dreg:s8], $0x5FFFF  }
0xad: {  	[dreg:$0x1] =	wrdreg $0xFFFFFFFF  }
0xae: {  	[dreg:$0x0] =	wrdreg $0x60  }
0xaf: {  	[dreg:$0x2] =	wrdreg s24  }
0xb0: {  	[dreg:$0x3] =	wrdreg s2  }
0xb1: {  	[dreg:$0x4] =	wrdreg s18  }
0xb2: {  	[dreg:$0x5] =	wrdreg $0x9  }
0xb3: {  	_ =	task.clear_ibuf [dreg:s8], $0x6FFFF;
	_ =	strace $0x90000046  }
0xb4: {  	s29 =	simm.s32 $0x9;
	_ =	strace $0x80000048  }
0xb5: {  	_ =	swait.ge [sflag:s29], $0x1  }
0xb6: {  	[sflag:s29] =	ssyncadd.s32 $0xFFFFFFFF  }
0xb7: {  	_ =	strace $0x90000048  }
0xb8: {  	_ =	sfence  }
0xb9: {  	s30 =	sld [smem:$0x0];
	_ =	sdelay $0x2  }
0xba: {  	s31 =	sshll.u32 s1, $0xD;
	s1 =	sshrl.u32 s1, $0x2  }
0xbb: {  	s3 =	sand.u32 $0x4000, s31;
	s1 =	sadd.s32 s1, s30  }
0xbc: {  	s0 =	sor.u32 s3, s0;
	s1 =	sshll.u32 s1, $0x11  }
0xbd: {  	s0 =	sor.u32 s1, s0  }
0xbe: {  	s0 =	sadd.s32 $0x8F2B, s0  }
0xbf: {  	[sflag:s0] =	ssyncadd.remote.s32 $0x1  }
0xc0: {  	_ =	sfence.sel $0xFFFF  }
0xc1: {  	[dreg:$0x0] =	wrdreg $0xFFFFFFFF;
	(pc) =	sbr.abs _section_cstart, $3  }
0xc2: {  	[dreg:$0x1] =	wrdreg $0xFFFFFFFF  }
0xc3: {  	_ =	task.clear_ibuf [dreg:s8], $0x2FFFF;
	_ =	strace $0x9FFFFFFF  }
0xc4: {  	(tm) =	ssettm $0x7FFFFFFF  }
0xc5: {  	_ =	shalt  }
tec
execute0_lowered:
.L_overlay_start_1:
0x0: {  	(tag) =	ssettag $0x1  }
0x1: {  	s0 =	rddreg [dreg:$0x0]  }
0x2: {  	s2 =	rddreg [dreg:$0x1];
	s1 =	srdreg.scid  }
0x3: {  	s21 =	stileid.u32;
	s4 =	rddreg [dreg:$0x2]  }
0x4: {  	s3 =	simm.s32 $0x0;
	s28 =	simm.s32 $0x2000;
	s30 =	simm.s32 $0xA000  }
0x5: {  	s29 =	simm.s32 $0xD000;
	s31 =	simm.s32 $0xD800;
	s1 =	sand.u32 $0x1, s1  }
0x6: {  	s5 =	sshll.u32 s21, $0x1;
	[smem:$0x7FF] =	sst s3;
	s7 =	sadd.s32 $0x300, s2  }
0x7: {  	s8 =	sadd.s32 $0x400, s2;
	s9 =	sadd.s32 $0x500, s2;
	s10 =	sadd.s32 $0x600, s2  }
0x8: {  	s11 =	sadd.s32 $0x700, s2;
	s12 =	sadd.s32 $0x800, s2;
	s13 =	sadd.s32 $0x900, s2  }
0x9: {  	s14 =	sadd.s32 $0xA00, s2;
	s15 =	sadd.s32 $0xB00, s2;
	s16 =	sadd.s32 $0xC00, s2  }
0xa: {  	s18 =	sadd.s32 $0xE00, s2;
	s19 =	sadd.s32 $0xF00, s2;
	s21 =	sshll.u32 s21, $0x13  }
0xb: {  	s17 =	sor.u32 s1, s5;
	s6 =	ssub.s32 $0x2, s1;
	_ =	strace $0x80000047  }
0xc: {  	s1 =	sshll.u32 s1, $0x12;
	s5 =	sshll.u32 s17, $0xA;
	s22 =	sshrl.u32 s6, $0x1  }
0xd: {  	s23 =	sshll.u32 s17, $0x12;
	s17 =	sadd.s32 $0xD00, s2;
	s0 =	sadd.s32 s5, s0  }
0xe: {  	s20 =	ssub.s32 s6, s22;
	s5 =	sadd.s32 $0x100, s2;
	s0 =	sadd.s32 $0x400, s0  }
0xf: {  	s26 =	smax.u32 s20, $0x1;
	[dreg:$0x4] =	wrdreg s0;
	s0 =	sadd.s32 s23, s4  }
0x10: {  	s6 =	sadd.s32 $0x200, s2;
	[dreg:$0xa] =	wrdreg s26;
	s22 =	sadd.s32 $0x3C000, s0  }
0x11: {  	s4 =	sadd.s32 s21, s4;
	s24 =	sadd.s32 $0x3D000, s0;
	[dreg:$0x5] =	wrdreg s22  }
0x12: {  	s20 =	simm.s32 $0xB000;
	s1 =	sadd.s32 s1, s4;
	[dreg:$0x6] =	wrdreg s24  }
0x13: {  	s26 =	simm.s32 $0x4;
	s25 =	sadd.s32 $0x3E000, s0;
	[dreg:$0x7] =	wrdreg s1  }
0x14: {  	s23 =	simm.s32 $0xC800;
	s0 =	sadd.s32 $0x3F000, s0;
	[dreg:$0x8] =	wrdreg s25  }
0x15: {  	v0 =	vlaneseq.u32;
	s21 =	simm.s32 $0x1;
	s4 =	simm.s32 $0x0;
	[dreg:$0x9] =	wrdreg s0  }
0x16: {  	v1 =	vshrl.u32 v0, $0x3;
	s24 =	simm.s32 $0xB800;
	s25 =	simm.s32 $0xC000;
	s1 =	simm.s32 $0x12000  }
0x17: {  	vm0 =	vmmov $0xffff;
	v0 =	vand.u32 $0x7, v0;
	v1 =	vmul.u32 $0x8, v1;
	s22 =	simm.s32 $0x2;
	s0 =	simm.s32 $0x3;
	[dreg:$0xb] =	wrdreg s4  }
.LBB2_1:
0x18: {  	s4 =	rddreg [dreg:$0x4]  }
0x19: {  	[tilespmem:s3], [sflag:$0x4] =	stream.linear.gather [hbm4b:s4+s3], $0x2000, $0x38;
	[tilespmem:$0x1A000] =	vst v63  }
0x1a: {  	_ =	swait.ge [sflag:s26], $0x2000  }
0x1b: {  	[sflag:s26] =	ssyncset.done $0x0  }
0x1c: {  	[sflag:s26] =	ssyncadd.s32 $0xFFFFE000  }
0x1d: {  	v2 =	vld.msk [tilespmem:$0x0], $0xff;
	_ =	sdelay $0x4  }
0x1e: {  	v3 =	vshll.u32 v2, $0x5  }
0x1f: {  	v2 =	vand.u32 $0x7, v2;
	v3 =	vand.u32 $0xFFFFFF00, v3  }
0x20: {  	v2 =	vor.u32 v2, v3  }
0x21: {  	v2 =	vperm.xlane v2, v0;
	_ =	sdelay $0x1  }
0x22: {  	v2 =	vadd.s32 v1, v2;
	_ =	sdelay $0x4  }
0x23: {  	[tilespmem:s28], [sflag:$0x1] =	stream.indirect_vreg.gather [hbm4b:s2+s3], $0x80, v2, vm0, $0xb8;
	[tilespmem:$0x1A000] =	vst v63  }
0x24: {  	s4 =	simm.s32 $0x2800  }
0x25: {  	[tilespmem:s4], [sflag:$0x1] =	stream.indirect_vreg.gather [hbm4b:s5+s3], $0x80, v2, vm0, $0xb8;
	[tilespmem:$0x1A000] =	vst v63  }
0x26: {  	s4 =	simm.s32 $0x3000  }
0x27: {  	[tilespmem:s4], [sflag:$0x1] =	stream.indirect_vreg.gather [hbm4b:s6+s3], $0x80, v2, vm0, $0xb8;
	[tilespmem:$0x1A000] =	vst v63  }
0x28: {  	s4 =	simm.s32 $0x3800  }
0x29: {  	[tilespmem:s4], [sflag:$0x1] =	stream.indirect_vreg.gather [hbm4b:s7+s3], $0x80, v2, vm0, $0xb8;
	[tilespmem:$0x1A000] =	vst v63  }
0x2a: {  	s4 =	simm.s32 $0x4000  }
0x2b: {  	[tilespmem:s4], [sflag:$0x1] =	stream.indirect_vreg.gather [hbm4b:s8+s3], $0x80, v2, vm0, $0xb8;
	[tilespmem:$0x1A000] =	vst v63  }
0x2c: {  	s4 =	simm.s32 $0x4800  }
0x2d: {  	[tilespmem:s4], [sflag:$0x1] =	stream.indirect_vreg.gather [hbm4b:s9+s3], $0x80, v2, vm0, $0xb8;
	[tilespmem:$0x1A000] =	vst v63  }
0x2e: {  	s4 =	simm.s32 $0x5000  }
0x2f: {  	[tilespmem:s4], [sflag:$0x1] =	stream.indirect_vreg.gather [hbm4b:s10+s3], $0x80, v2, vm0, $0xb8;
	[tilespmem:$0x1A000] =	vst v63  }
0x30: {  	s4 =	simm.s32 $0x5800  }
0x31: {  	[tilespmem:s4], [sflag:$0x1] =	stream.indirect_vreg.gather [hbm4b:s11+s3], $0x80, v2, vm0, $0xb8;
	[tilespmem:$0x1A000] =	vst v63  }
0x32: {  	s4 =	simm.s32 $0x6000  }
0x33: {  	[tilespmem:s4], [sflag:$0x1] =	stream.indirect_vreg.gather [hbm4b:s12+s3], $0x80, v2, vm0, $0xb8;
	[tilespmem:$0x1A000] =	vst v63  }
0x34: {  	s4 =	simm.s32 $0x6800  }
0x35: {  	[tilespmem:s4], [sflag:$0x1] =	stream.indirect_vreg.gather [hbm4b:s13+s3], $0x80, v2, vm0, $0xb8;
	[tilespmem:$0x1A000] =	vst v63  }
0x36: {  	s4 =	simm.s32 $0x7000  }
0x37: {  	[tilespmem:s4], [sflag:$0x1] =	stream.indirect_vreg.gather [hbm4b:s14+s3], $0x80, v2, vm0, $0xb8;
	[tilespmem:$0x1A000] =	vst v63  }
0x38: {  	s4 =	simm.s32 $0x7800  }
0x39: {  	[tilespmem:s4], [sflag:$0x1] =	stream.indirect_vreg.gather [hbm4b:s15+s3], $0x80, v2, vm0, $0xb8;
	[tilespmem:$0x1A000] =	vst v63  }
0x3a: {  	s4 =	simm.s32 $0x8000  }
0x3b: {  	[tilespmem:s4], [sflag:$0x1] =	stream.indirect_vreg.gather [hbm4b:s16+s3], $0x80, v2, vm0, $0xb8;
	[tilespmem:$0x1A000] =	vst v63  }
0x3c: {  	s4 =	simm.s32 $0x8800  }
0x3d: {  	[tilespmem:s4], [sflag:$0x1] =	stream.indirect_vreg.gather [hbm4b:s17+s3], $0x80, v2, vm0, $0xb8;
	[tilespmem:$0x1A000] =	vst v63  }
0x3e: {  	s4 =	simm.s32 $0x9000  }
0x3f: {  	[tilespmem:s4], [sflag:$0x1] =	stream.indirect_vreg.gather [hbm4b:s18+s3], $0x80, v2, vm0, $0xb8;
	[tilespmem:$0x1A000] =	vst v63  }
0x40: {  	s4 =	simm.s32 $0x9800  }
0x41: {  	[tilespmem:s4], [sflag:$0x1] =	stream.indirect_vreg.gather [hbm4b:s19+s3], $0x80, v2, vm0, $0xb8;
	[tilespmem:$0x1A000] =	vst v63  }
0x42: {  	v2 =	vld.msk [tilespmem:$0x80], $0xff;
	_ =	sdelay $0x4  }
0x43: {  	v3 =	vshll.u32 v2, $0x5  }
0x44: {  	v2 =	vand.u32 $0x7, v2;
	v3 =	vand.u32 $0xFFFFFF00, v3  }
0x45: {  	v2 =	vor.u32 v2, v3  }
0x46: {  	v2 =	vperm.xlane v2, v0;
	_ =	sdelay $0x1  }
0x47: {  	v2 =	vadd.s32 v1, v2;
	_ =	sdelay $0x4  }
0x48: {  	[tilespmem:s30], [sflag:$0x2] =	stream.indirect_vreg.gather [hbm4b:s2+s3], $0x80, v2, vm0, $0xb8;
	[tilespmem:$0x1A000] =	vst v63  }
0x49: {  	s30 =	simm.s32 $0xA800  }
0x4a: {  	[tilespmem:s30], [sflag:$0x2] =	stream.indirect_vreg.gather [hbm4b:s5+s3], $0x80, v2, vm0, $0xb8;
	[tilespmem:$0x1A000] =	vst v63  }
0x4b: {  	_ = 	snop  }
0x4c: {  	[tilespmem:s20], [sflag:$0x2] =	stream.indirect_vreg.gather [hbm4b:s6+s3], $0x80, v2, vm0, $0xb8;
	[tilespmem:$0x1A000] =	vst v63  }
0x4d: {  	_ = 	snop  }
0x4e: {  	[tilespmem:s24], [sflag:$0x2] =	stream.indirect_vreg.gather [hbm4b:s7+s3], $0x80, v2, vm0, $0xb8;
	[tilespmem:$0x1A000] =	vst v63  }
0x4f: {  	_ = 	snop  }
0x50: {  	[tilespmem:s25], [sflag:$0x2] =	stream.indirect_vreg.gather [hbm4b:s8+s3], $0x80, v2, vm0, $0xb8;
	[tilespmem:$0x1A000] =	vst v63  }
0x51: {  	_ = 	snop  }
0x52: {  	[tilespmem:s23], [sflag:$0x2] =	stream.indirect_vreg.gather [hbm4b:s9+s3], $0x80, v2, vm0, $0xb8;
	[tilespmem:$0x1A000] =	vst v63  }
0x53: {  	_ = 	snop  }
0x54: {  	[tilespmem:s29], [sflag:$0x2] =	stream.indirect_vreg.gather [hbm4b:s10+s3], $0x80, v2, vm0, $0xb8;
	[tilespmem:$0x1A000] =	vst v63  }
0x55: {  	_ = 	snop  }
0x56: {  	[tilespmem:s31], [sflag:$0x2] =	stream.indirect_vreg.gather [hbm4b:s11+s3], $0x80, v2, vm0, $0xb8;
	[tilespmem:$0x1A000] =	vst v63  }
0x57: {  	s30 =	simm.s32 $0xE000  }
0x58: {  	[tilespmem:s30], [sflag:$0x2] =	stream.indirect_vreg.gather [hbm4b:s12+s3], $0x80, v2, vm0, $0xb8;
	[tilespmem:$0x1A000] =	vst v63  }
0x59: {  	s31 =	simm.s32 $0xE800  }
0x5a: {  	[tilespmem:s31], [sflag:$0x2] =	stream.indirect_vreg.gather [hbm4b:s13+s3], $0x80, v2, vm0, $0xb8;
	[tilespmem:$0x1A000] =	vst v63  }
0x5b: {  	s20 =	simm.s32 $0xF000  }
0x5c: {  	[tilespmem:s20], [sflag:$0x2] =	stream.indirect_vreg.gather [hbm4b:s14+s3], $0x80, v2, vm0, $0xb8;
	[tilespmem:$0x1A000] =	vst v63  }
0x5d: {  	s23 =	simm.s32 $0xF800  }
0x5e: {  	[tilespmem:s23], [sflag:$0x2] =	stream.indirect_vreg.gather [hbm4b:s15+s3], $0x80, v2, vm0, $0xb8;
	[tilespmem:$0x1A000] =	vst v63  }
0x5f: {  	s24 =	simm.s32 $0x10000  }
0x60: {  	[tilespmem:s24], [sflag:$0x2] =	stream.indirect_vreg.gather [hbm4b:s16+s3], $0x80, v2, vm0, $0xb8;
	[tilespmem:$0x1A000] =	vst v63  }
0x61: {  	s25 =	simm.s32 $0x10800  }
0x62: {  	[tilespmem:s25], [sflag:$0x2] =	stream.indirect_vreg.gather [hbm4b:s17+s3], $0x80, v2, vm0, $0xb8;
	[tilespmem:$0x1A000] =	vst v63  }
0x63: {  	s30 =	simm.s32 $0x11000  }
0x64: {  	[tilespmem:s30], [sflag:$0x2] =	stream.indirect_vreg.gather [hbm4b:s18+s3], $0x80, v2, vm0, $0xb8;
	[tilespmem:$0x1A000] =	vst v63  }
0x65: {  	s31 =	simm.s32 $0x11800  }
0x66: {  	[tilespmem:s31], [sflag:$0x2] =	stream.indirect_vreg.gather [hbm4b:s19+s3], $0x80, v2, vm0, $0xb8;
	[tilespmem:$0x1A000] =	vst v63  }
0x67: {  	v2 =	vld.msk [tilespmem:$0x100], $0xff;
	_ =	sdelay $0x4  }
0x68: {  	v3 =	vshll.u32 v2, $0x5  }
0x69: {  	v2 =	vand.u32 $0x7, v2;
	v3 =	vand.u32 $0xFFFFFF00, v3  }
0x6a: {  	v2 =	vor.u32 v2, v3  }
0x6b: {  	v2 =	vperm.xlane v2, v0;
	_ =	sdelay $0x1  }
0x6c: {  	v2 =	vadd.s32 v1, v2;
	_ =	sdelay $0x4  }
0x6d: {  	[tilespmem:s1], [sflag:$0x3] =	stream.indirect_vreg.gather [hbm4b:s2+s3], $0x80, v2, vm0, $0xb8;
	[tilespmem:$0x1A000] =	vst v63  }
0x6e: {  	s20 =	simm.s32 $0x12800  }
0x6f: {  	[tilespmem:s20], [sflag:$0x3] =	stream.indirect_vreg.gather [hbm4b:s5+s3], $0x80, v2, vm0, $0xb8;
	[tilespmem:$0x1A000] =	vst v63  }
0x70: {  	s23 =	simm.s32 $0x13000  }
0x71: {  	[tilespmem:s23], [sflag:$0x3] =	stream.indirect_vreg.gather [hbm4b:s6+s3], $0x80, v2, vm0, $0xb8;
	[tilespmem:$0x1A000] =	vst v63  }
0x72: {  	s24 =	simm.s32 $0x13800  }
0x73: {  	[tilespmem:s24], [sflag:$0x3] =	stream.indirect_vreg.gather [hbm4b:s7+s3], $0x80, v2, vm0, $0xb8;
	[tilespmem:$0x1A000] =	vst v63  }
0x74: {  	s25 =	simm.s32 $0x14000  }
0x75: {  	[tilespmem:s25], [sflag:$0x3] =	stream.indirect_vreg.gather [hbm4b:s8+s3], $0x80, v2, vm0, $0xb8;
	[tilespmem:$0x1A000] =	vst v63  }
0x76: {  	s30 =	simm.s32 $0x14800  }
0x77: {  	[tilespmem:s30], [sflag:$0x3] =	stream.indirect_vreg.gather [hbm4b:s9+s3], $0x80, v2, vm0, $0xb8;
	[tilespmem:$0x1A000] =	vst v63  }
0x78: {  	s31 =	simm.s32 $0x15000  }
0x79: {  	[tilespmem:s31], [sflag:$0x3] =	stream.indirect_vreg.gather [hbm4b:s10+s3], $0x80, v2, vm0, $0xb8;
	[tilespmem:$0x1A000] =	vst v63  }
0x7a: {  	s4 =	simm.s32 $0x15800  }
0x7b: {  	[tilespmem:s4], [sflag:$0x3] =	stream.indirect_vreg.gather [hbm4b:s11+s3], $0x80, v2, vm0, $0xb8;
	[tilespmem:$0x1A000] =	vst v63  }
0x7c: {  	s20 =	simm.s32 $0x16000  }
0x7d: {  	[tilespmem:s20], [sflag:$0x3] =	stream.indirect_vreg.gather [hbm4b:s12+s3], $0x80, v2, vm0, $0xb8;
	[tilespmem:$0x1A000] =	vst v63  }
0x7e: {  	s23 =	simm.s32 $0x16800  }
0x7f: {  	[tilespmem:s23], [sflag:$0x3] =	stream.indirect_vreg.gather [hbm4b:s13+s3], $0x80, v2, vm0, $0xb8;
	[tilespmem:$0x1A000] =	vst v63  }
0x80: {  	s24 =	simm.s32 $0x17000  }
0x81: {  	[tilespmem:s24], [sflag:$0x3] =	stream.indirect_vreg.gather [hbm4b:s14+s3], $0x80, v2, vm0, $0xb8;
	[tilespmem:$0x1A000] =	vst v63  }
0x82: {  	s25 =	simm.s32 $0x17800  }
0x83: {  	[tilespmem:s25], [sflag:$0x3] =	stream.indirect_vreg.gather [hbm4b:s15+s3], $0x80, v2, vm0, $0xb8;
	[tilespmem:$0x1A000] =	vst v63  }
0x84: {  	s30 =	simm.s32 $0x18000  }
0x85: {  	[tilespmem:s30], [sflag:$0x3] =	stream.indirect_vreg.gather [hbm4b:s16+s3], $0x80, v2, vm0, $0xb8;
	[tilespmem:$0x1A000] =	vst v63  }
0x86: {  	s31 =	simm.s32 $0x18800  }
0x87: {  	[tilespmem:s31], [sflag:$0x3] =	stream.indirect_vreg.gather [hbm4b:s17+s3], $0x80, v2, vm0, $0xb8;
	[tilespmem:$0x1A000] =	vst v63  }
0x88: {  	s28 =	simm.s32 $0x19000;
	s29 =	rddreg [dreg:$0x7]  }
0x89: {  	[tilespmem:s28], [sflag:$0x3] =	stream.indirect_vreg.gather [hbm4b:s18+s3], $0x80, v2, vm0, $0xb8;
	[tilespmem:$0x1A000] =	vst v63  }
0x8a: {  	s20 =	simm.s32 $0xD800;
	s23 =	simm.s32 $0x0;
	s25 =	simm.s32 $0x19800  }
0x8b: {  	[tilespmem:s25], [sflag:$0x3] =	stream.indirect_vreg.gather [hbm4b:s19+s3], $0x80, v2, vm0, $0xb8;
	[tilespmem:$0x1A000] =	vst v63  }
.LBB2_2:
0x8c: {  	_ =	swait.ge [sflag:s21], $0x8000  }
0x8d: {  	[sflag:s21] =	ssyncset.done $0x0  }
0x8e: {  	s31 =	simm.s32 $0x2000;
	[sflag:s21] =	ssyncadd.s32 $0xFFFF8000  }
0x8f: {  	[hbm4b:s29+s3] =	stream.linear.scatter [tilespmem:s31], [sflag:$0x4], $0x8000, $0x38;
	[tilespmem:$0x1A000] =	vst v63  }
0x90: {  	_ =	swait.ge [sflag:s26], $0x8000  }
0x91: {  	[sflag:s26] =	ssyncset.done $0x0  }
0x92: {  	s4 =	sshra.s32 s23, $0x2;
	[sflag:s26] =	ssyncadd.s32 $0xFFFF8000  }
0x93: {  	v2 =	vld.msk [tilespmem:s4+$0x180], $0xff;
	_ =	sdelay $0x4  }
0x94: {  	v3 =	vshll.u32 v2, $0x5  }
0x95: {  	v2 =	vand.u32 $0x7, v2;
	v3 =	vand.u32 $0xFFFFFF00, v3  }
0x96: {  	v2 =	vor.u32 v2, v3  }
0x97: {  	v2 =	vperm.xlane v2, v0;
	_ =	sdelay $0x1  }
0x98: {  	v2 =	vadd.s32 v1, v2;
	_ =	sdelay $0x4  }
0x99: {  	[tilespmem:s31], [sflag:$0x1] =	stream.indirect_vreg.gather [hbm4b:s2+s3], $0x80, v2, vm0, $0xb8;
	[tilespmem:$0x1A000] =	vst v63  }
0x9a: {  	s1 =	simm.s32 $0x2800  }
0x9b: {  	[tilespmem:s1], [sflag:$0x1] =	stream.indirect_vreg.gather [hbm4b:s5+s3], $0x80, v2, vm0, $0xb8;
	[tilespmem:$0x1A000] =	vst v63  }
0x9c: {  	s24 =	simm.s32 $0x3000  }
0x9d: {  	[tilespmem:s24], [sflag:$0x1] =	stream.indirect_vreg.gather [hbm4b:s6+s3], $0x80, v2, vm0, $0xb8;
	[tilespmem:$0x1A000] =	vst v63  }
0x9e: {  	s1 =	simm.s32 $0x3800  }
0x9f: {  	[tilespmem:s1], [sflag:$0x1] =	stream.indirect_vreg.gather [hbm4b:s7+s3], $0x80, v2, vm0, $0xb8;
	[tilespmem:$0x1A000] =	vst v63  }
0xa0: {  	s24 =	simm.s32 $0x4000  }
0xa1: {  	[tilespmem:s24], [sflag:$0x1] =	stream.indirect_vreg.gather [hbm4b:s8+s3], $0x80, v2, vm0, $0xb8;
	[tilespmem:$0x1A000] =	vst v63  }
0xa2: {  	s1 =	simm.s32 $0x4800  }
0xa3: {  	[tilespmem:s1], [sflag:$0x1] =	stream.indirect_vreg.gather [hbm4b:s9+s3], $0x80, v2, vm0, $0xb8;
	[tilespmem:$0x1A000] =	vst v63  }
0xa4: {  	s24 =	simm.s32 $0x5000  }
0xa5: {  	[tilespmem:s24], [sflag:$0x1] =	stream.indirect_vreg.gather [hbm4b:s10+s3], $0x80, v2, vm0, $0xb8;
	[tilespmem:$0x1A000] =	vst v63  }
0xa6: {  	s1 =	simm.s32 $0x5800  }
0xa7: {  	[tilespmem:s1], [sflag:$0x1] =	stream.indirect_vreg.gather [hbm4b:s11+s3], $0x80, v2, vm0, $0xb8;
	[tilespmem:$0x1A000] =	vst v63  }
0xa8: {  	s24 =	simm.s32 $0x6000  }
0xa9: {  	[tilespmem:s24], [sflag:$0x1] =	stream.indirect_vreg.gather [hbm4b:s12+s3], $0x80, v2, vm0, $0xb8;
	[tilespmem:$0x1A000] =	vst v63  }
0xaa: {  	s1 =	simm.s32 $0x6800  }
0xab: {  	[tilespmem:s1], [sflag:$0x1] =	stream.indirect_vreg.gather [hbm4b:s13+s3], $0x80, v2, vm0, $0xb8;
	[tilespmem:$0x1A000] =	vst v63  }
0xac: {  	s24 =	simm.s32 $0x7000  }
0xad: {  	[tilespmem:s24], [sflag:$0x1] =	stream.indirect_vreg.gather [hbm4b:s14+s3], $0x80, v2, vm0, $0xb8;
	[tilespmem:$0x1A000] =	vst v63  }
0xae: {  	s1 =	simm.s32 $0x7800  }
0xaf: {  	[tilespmem:s1], [sflag:$0x1] =	stream.indirect_vreg.gather [hbm4b:s15+s3], $0x80, v2, vm0, $0xb8;
	[tilespmem:$0x1A000] =	vst v63  }
0xb0: {  	s24 =	simm.s32 $0x8000  }
0xb1: {  	[tilespmem:s24], [sflag:$0x1] =	stream.indirect_vreg.gather [hbm4b:s16+s3], $0x80, v2, vm0, $0xb8;
	[tilespmem:$0x1A000] =	vst v63  }
0xb2: {  	s1 =	simm.s32 $0x8800  }
0xb3: {  	[tilespmem:s1], [sflag:$0x1] =	stream.indirect_vreg.gather [hbm4b:s17+s3], $0x80, v2, vm0, $0xb8;
	[tilespmem:$0x1A000] =	vst v63  }
0xb4: {  	s24 =	simm.s32 $0x9000  }
0xb5: {  	[tilespmem:s24], [sflag:$0x1] =	stream.indirect_vreg.gather [hbm4b:s18+s3], $0x80, v2, vm0, $0xb8;
	[tilespmem:$0x1A000] =	vst v63  }
0xb6: {  	s1 =	simm.s32 $0x9800  }
0xb7: {  	[tilespmem:s1], [sflag:$0x1] =	stream.indirect_vreg.gather [hbm4b:s19+s3], $0x80, v2, vm0, $0xb8;
	[tilespmem:$0x1A000] =	vst v63  }
0xb8: {  	_ =	swait.ge [sflag:s22], $0x8000  }
0xb9: {  	[sflag:s22] =	ssyncset.done $0x0  }
0xba: {  	s24 =	sadd.s32 $0x1000, s29;
	s1 =	simm.s32 $0xA000;
	[sflag:s22] =	ssyncadd.s32 $0xFFFF8000  }
0xbb: {  	[hbm4b:s24+s3] =	stream.linear.scatter [tilespmem:s1], [sflag:$0x4], $0x8000, $0x38;
	[tilespmem:$0x1A000] =	vst v63  }
0xbc: {  	_ =	swait.ge [sflag:s26], $0x8000  }
0xbd: {  	[sflag:s26] =	ssyncset.done $0x0  }
0xbe: {  	[sflag:s26] =	ssyncadd.s32 $0xFFFF8000  }
0xbf: {  	v2 =	vld.msk [tilespmem:s4+$0x200], $0xff;
	_ =	sdelay $0x4  }
0xc0: {  	v3 =	vshll.u32 v2, $0x5  }
0xc1: {  	v2 =	vand.u32 $0x7, v2;
	v3 =	vand.u32 $0xFFFFFF00, v3  }
0xc2: {  	v2 =	vor.u32 v2, v3  }
0xc3: {  	v2 =	vperm.xlane v2, v0;
	_ =	sdelay $0x1  }
0xc4: {  	v2 =	vadd.s32 v1, v2;
	_ =	sdelay $0x4  }
0xc5: {  	[tilespmem:s1], [sflag:$0x2] =	stream.indirect_vreg.gather [hbm4b:s2+s3], $0x80, v2, vm0, $0xb8;
	[tilespmem:$0x1A000] =	vst v63  }
0xc6: {  	s24 =	simm.s32 $0xA800  }
0xc7: {  	[tilespmem:s24], [sflag:$0x2] =	stream.indirect_vreg.gather [hbm4b:s5+s3], $0x80, v2, vm0, $0xb8;
	[tilespmem:$0x1A000] =	vst v63  }
0xc8: {  	s31 =	simm.s32 $0xB000  }
0xc9: {  	[tilespmem:s31], [sflag:$0x2] =	stream.indirect_vreg.gather [hbm4b:s6+s3], $0x80, v2, vm0, $0xb8;
	[tilespmem:$0x1A000] =	vst v63  }
0xca: {  	s24 =	simm.s32 $0xB800  }
0xcb: {  	[tilespmem:s24], [sflag:$0x2] =	stream.indirect_vreg.gather [hbm4b:s7+s3], $0x80, v2, vm0, $0xb8;
	[tilespmem:$0x1A000] =	vst v63  }
0xcc: {  	s31 =	simm.s32 $0xC000  }
0xcd: {  	[tilespmem:s31], [sflag:$0x2] =	stream.indirect_vreg.gather [hbm4b:s8+s3], $0x80, v2, vm0, $0xb8;
	[tilespmem:$0x1A000] =	vst v63  }
0xce: {  	s24 =	simm.s32 $0xC800  }
0xcf: {  	[tilespmem:s24], [sflag:$0x2] =	stream.indirect_vreg.gather [hbm4b:s9+s3], $0x80, v2, vm0, $0xb8;
	[tilespmem:$0x1A000] =	vst v63  }
0xd0: {  	s31 =	simm.s32 $0xD000  }
0xd1: {  	[tilespmem:s31], [sflag:$0x2] =	stream.indirect_vreg.gather [hbm4b:s10+s3], $0x80, v2, vm0, $0xb8;
	[tilespmem:$0x1A000] =	vst v63  }
0xd2: {  	_ = 	snop  }
0xd3: {  	[tilespmem:s20], [sflag:$0x2] =	stream.indirect_vreg.gather [hbm4b:s11+s3], $0x80, v2, vm0, $0xb8;
	[tilespmem:$0x1A000] =	vst v63  }
0xd4: {  	s24 =	simm.s32 $0xE000  }
0xd5: {  	[tilespmem:s24], [sflag:$0x2] =	stream.indirect_vreg.gather [hbm4b:s12+s3], $0x80, v2, vm0, $0xb8;
	[tilespmem:$0x1A000] =	vst v63  }
0xd6: {  	s31 =	simm.s32 $0xE800  }
0xd7: {  	[tilespmem:s31], [sflag:$0x2] =	stream.indirect_vreg.gather [hbm4b:s13+s3], $0x80, v2, vm0, $0xb8;
	[tilespmem:$0x1A000] =	vst v63  }
0xd8: {  	s24 =	simm.s32 $0xF000  }
0xd9: {  	[tilespmem:s24], [sflag:$0x2] =	stream.indirect_vreg.gather [hbm4b:s14+s3], $0x80, v2, vm0, $0xb8;
	[tilespmem:$0x1A000] =	vst v63  }
0xda: {  	s31 =	simm.s32 $0xF800  }
0xdb: {  	[tilespmem:s31], [sflag:$0x2] =	stream.indirect_vreg.gather [hbm4b:s15+s3], $0x80, v2, vm0, $0xb8;
	[tilespmem:$0x1A000] =	vst v63  }
0xdc: {  	s24 =	simm.s32 $0x10000  }
0xdd: {  	[tilespmem:s24], [sflag:$0x2] =	stream.indirect_vreg.gather [hbm4b:s16+s3], $0x80, v2, vm0, $0xb8;
	[tilespmem:$0x1A000] =	vst v63  }
0xde: {  	s31 =	simm.s32 $0x10800  }
0xdf: {  	[tilespmem:s31], [sflag:$0x2] =	stream.indirect_vreg.gather [hbm4b:s17+s3], $0x80, v2, vm0, $0xb8;
	[tilespmem:$0x1A000] =	vst v63  }
0xe0: {  	s24 =	simm.s32 $0x11000  }
0xe1: {  	[tilespmem:s24], [sflag:$0x2] =	stream.indirect_vreg.gather [hbm4b:s18+s3], $0x80, v2, vm0, $0xb8;
	[tilespmem:$0x1A000] =	vst v63  }
0xe2: {  	s31 =	simm.s32 $0x11800  }
0xe3: {  	[tilespmem:s31], [sflag:$0x2] =	stream.indirect_vreg.gather [hbm4b:s19+s3], $0x80, v2, vm0, $0xb8;
	[tilespmem:$0x1A000] =	vst v63  }
0xe4: {  	_ =	swait.ge [sflag:s0], $0x8000  }
0xe5: {  	[sflag:s0] =	ssyncset.done $0x0  }
0xe6: {  	s1 =	sadd.s32 $0x2000, s29;
	s24 =	simm.s32 $0x12000;
	[sflag:s0] =	ssyncadd.s32 $0xFFFF8000  }
0xe7: {  	[hbm4b:s1+s3] =	stream.linear.scatter [tilespmem:s24], [sflag:$0x4], $0x8000, $0x38;
	[tilespmem:$0x1A000] =	vst v63  }
0xe8: {  	_ =	swait.ge [sflag:s26], $0x8000  }
0xe9: {  	[sflag:s26] =	ssyncset.done $0x0  }
0xea: {  	[sflag:s26] =	ssyncadd.s32 $0xFFFF8000  }
0xeb: {  	v2 =	vld.msk [tilespmem:s4+$0x280], $0xff;
	_ =	sdelay $0x4  }
0xec: {  	v3 =	vshll.u32 v2, $0x5  }
0xed: {  	v2 =	vand.u32 $0x7, v2;
	v3 =	vand.u32 $0xFFFFFF00, v3  }
0xee: {  	v2 =	vor.u32 v2, v3  }
0xef: {  	v2 =	vperm.xlane v2, v0;
	_ =	sdelay $0x1  }
0xf0: {  	v2 =	vadd.s32 v1, v2;
	_ =	sdelay $0x4  }
0xf1: {  	[tilespmem:s24], [sflag:$0x3] =	stream.indirect_vreg.gather [hbm4b:s2+s3], $0x80, v2, vm0, $0xb8;
	[tilespmem:$0x1A000] =	vst v63  }
0xf2: {  	s31 =	simm.s32 $0x12800  }
0xf3: {  	[tilespmem:s31], [sflag:$0x3] =	stream.indirect_vreg.gather [hbm4b:s5+s3], $0x80, v2, vm0, $0xb8;
	[tilespmem:$0x1A000] =	vst v63  }
0xf4: {  	s24 =	simm.s32 $0x13000  }
0xf5: {  	[tilespmem:s24], [sflag:$0x3] =	stream.indirect_vreg.gather [hbm4b:s6+s3], $0x80, v2, vm0, $0xb8;
	[tilespmem:$0x1A000] =	vst v63  }
0xf6: {  	s31 =	simm.s32 $0x13800  }
0xf7: {  	[tilespmem:s31], [sflag:$0x3] =	stream.indirect_vreg.gather [hbm4b:s7+s3], $0x80, v2, vm0, $0xb8;
	[tilespmem:$0x1A000] =	vst v63  }
0xf8: {  	s24 =	simm.s32 $0x14000  }
0xf9: {  	[tilespmem:s24], [sflag:$0x3] =	stream.indirect_vreg.gather [hbm4b:s8+s3], $0x80, v2, vm0, $0xb8;
	[tilespmem:$0x1A000] =	vst v63  }
0xfa: {  	s31 =	simm.s32 $0x14800  }
0xfb: {  	[tilespmem:s31], [sflag:$0x3] =	stream.indirect_vreg.gather [hbm4b:s9+s3], $0x80, v2, vm0, $0xb8;
	[tilespmem:$0x1A000] =	vst v63  }
0xfc: {  	s24 =	simm.s32 $0x15000  }
0xfd: {  	[tilespmem:s24], [sflag:$0x3] =	stream.indirect_vreg.gather [hbm4b:s10+s3], $0x80, v2, vm0, $0xb8;
	[tilespmem:$0x1A000] =	vst v63  }
0xfe: {  	s31 =	simm.s32 $0x15800  }
0xff: {  	[tilespmem:s31], [sflag:$0x3] =	stream.indirect_vreg.gather [hbm4b:s11+s3], $0x80, v2, vm0, $0xb8;
	[tilespmem:$0x1A000] =	vst v63  }
0x100: {  	s24 =	simm.s32 $0x16000  }
0x101: {  	[tilespmem:s24], [sflag:$0x3] =	stream.indirect_vreg.gather [hbm4b:s12+s3], $0x80, v2, vm0, $0xb8;
	[tilespmem:$0x1A000] =	vst v63  }
0x102: {  	s31 =	simm.s32 $0x16800  }
0x103: {  	[tilespmem:s31], [sflag:$0x3] =	stream.indirect_vreg.gather [hbm4b:s13+s3], $0x80, v2, vm0, $0xb8;
	[tilespmem:$0x1A000] =	vst v63  }
0x104: {  	s24 =	simm.s32 $0x17000  }
0x105: {  	[tilespmem:s24], [sflag:$0x3] =	stream.indirect_vreg.gather [hbm4b:s14+s3], $0x80, v2, vm0, $0xb8;
	[tilespmem:$0x1A000] =	vst v63  }
0x106: {  	s31 =	simm.s32 $0x17800  }
0x107: {  	[tilespmem:s31], [sflag:$0x3] =	stream.indirect_vreg.gather [hbm4b:s15+s3], $0x80, v2, vm0, $0xb8;
	[tilespmem:$0x1A000] =	vst v63  }
0x108: {  	s24 =	simm.s32 $0x18000  }
0x109: {  	[tilespmem:s24], [sflag:$0x3] =	stream.indirect_vreg.gather [hbm4b:s16+s3], $0x80, v2, vm0, $0xb8;
	[tilespmem:$0x1A000] =	vst v63  }
0x10a: {  	p0 =	sne.s32 s23, $0x7200;
	s31 =	simm.s32 $0x18800  }
0x10b: {  	[tilespmem:s31], [sflag:$0x3] =	stream.indirect_vreg.gather [hbm4b:s17+s3], $0x80, v2, vm0, $0xb8;
	[tilespmem:$0x1A000] =	vst v63  }
.Ltmp0:
0x10c: {  	_ = 	snop;
	(pc) =	sbr.rel @p0 .LBB2_2-.Ltmp0, $4  }
0x10d: {  	s30 =	simm.s32 $0xA000  }
0x10e: {  	[tilespmem:s28], [sflag:$0x3] =	stream.indirect_vreg.gather [hbm4b:s18+s3], $0x80, v2, vm0, $0xb8;
	[tilespmem:$0x1A000] =	vst v63  }
0x10f: {  	s23 =	sadd.s32 $0x600, s23;
	s29 =	sadd.s32 $0x3000, s29;
	s1 =	simm.s32 $0x12000  }
0x110: {  	[tilespmem:s25], [sflag:$0x3] =	stream.indirect_vreg.gather [hbm4b:s19+s3], $0x80, v2, vm0, $0xb8;
	[tilespmem:$0x1A000] =	vst v63  }
0x111: {  	_ =	swait.ge [sflag:s21], $0x8000  }
0x112: {  	[sflag:s21] =	ssyncset.done $0x0  }
0x113: {  	s20 =	simm.s32 $0x2000;
	s4 =	rddreg [dreg:$0x5];
	[sflag:s21] =	ssyncadd.s32 $0xFFFF8000  }
0x114: {  	[hbm4b:s4+s3] =	stream.linear.scatter [tilespmem:s20], [sflag:$0x4], $0x8000, $0x38;
	[tilespmem:$0x1A000] =	vst v63  }
0x115: {  	_ =	swait.ge [sflag:s26], $0x8000  }
0x116: {  	[sflag:s26] =	ssyncset.done $0x0  }
0x117: {  	[sflag:s26] =	ssyncadd.s32 $0xFFFF8000  }
0x118: {  	v2 =	vld.msk [tilespmem:$0x1F80], $0xff;
	_ =	sdelay $0x4  }
0x119: {  	v3 =	vshll.u32 v2, $0x5  }
0x11a: {  	v2 =	vand.u32 $0x7, v2;
	v3 =	vand.u32 $0xFFFFFF00, v3  }
0x11b: {  	v2 =	vor.u32 v2, v3  }
0x11c: {  	v2 =	vperm.xlane v2, v0;
	_ =	sdelay $0x1  }
0x11d: {  	v2 =	vadd.s32 v1, v2;
	_ =	sdelay $0x4  }
0x11e: {  	[tilespmem:s20], [sflag:$0x1] =	stream.indirect_vreg.gather [hbm4b:s2+s3], $0x80, v2, vm0, $0xb8;
	[tilespmem:$0x1A000] =	vst v63  }
0x11f: {  	s24 =	simm.s32 $0x2800  }
0x120: {  	[tilespmem:s24], [sflag:$0x1] =	stream.indirect_vreg.gather [hbm4b:s5+s3], $0x80, v2, vm0, $0xb8;
	[tilespmem:$0x1A000] =	vst v63  }
0x121: {  	s25 =	simm.s32 $0x3000  }
0x122: {  	[tilespmem:s25], [sflag:$0x1] =	stream.indirect_vreg.gather [hbm4b:s6+s3], $0x80, v2, vm0, $0xb8;
	[tilespmem:$0x1A000] =	vst v63  }
0x123: {  	s23 =	simm.s32 $0x3800  }
0x124: {  	[tilespmem:s23], [sflag:$0x1] =	stream.indirect_vreg.gather [hbm4b:s7+s3], $0x80, v2, vm0, $0xb8;
	[tilespmem:$0x1A000] =	vst v63  }
0x125: {  	s24 =	simm.s32 $0x4000  }
0x126: {  	[tilespmem:s24], [sflag:$0x1] =	stream.indirect_vreg.gather [hbm4b:s8+s3], $0x80, v2, vm0, $0xb8;
	[tilespmem:$0x1A000] =	vst v63  }
0x127: {  	s25 =	simm.s32 $0x4800  }
0x128: {  	[tilespmem:s25], [sflag:$0x1] =	stream.indirect_vreg.gather [hbm4b:s9+s3], $0x80, v2, vm0, $0xb8;
	[tilespmem:$0x1A000] =	vst v63  }
0x129: {  	s23 =	simm.s32 $0x5000  }
0x12a: {  	[tilespmem:s23], [sflag:$0x1] =	stream.indirect_vreg.gather [hbm4b:s10+s3], $0x80, v2, vm0, $0xb8;
	[tilespmem:$0x1A000] =	vst v63  }
0x12b: {  	s24 =	simm.s32 $0x5800  }
0x12c: {  	[tilespmem:s24], [sflag:$0x1] =	stream.indirect_vreg.gather [hbm4b:s11+s3], $0x80, v2, vm0, $0xb8;
	[tilespmem:$0x1A000] =	vst v63  }
0x12d: {  	s25 =	simm.s32 $0x6000  }
0x12e: {  	[tilespmem:s25], [sflag:$0x1] =	stream.indirect_vreg.gather [hbm4b:s12+s3], $0x80, v2, vm0, $0xb8;
	[tilespmem:$0x1A000] =	vst v63  }
0x12f: {  	s23 =	simm.s32 $0x6800  }
0x130: {  	[tilespmem:s23], [sflag:$0x1] =	stream.indirect_vreg.gather [hbm4b:s13+s3], $0x80, v2, vm0, $0xb8;
	[tilespmem:$0x1A000] =	vst v63  }
0x131: {  	s24 =	simm.s32 $0x7000  }
0x132: {  	[tilespmem:s24], [sflag:$0x1] =	stream.indirect_vreg.gather [hbm4b:s14+s3], $0x80, v2, vm0, $0xb8;
	[tilespmem:$0x1A000] =	vst v63  }
0x133: {  	s25 =	simm.s32 $0x7800  }
0x134: {  	[tilespmem:s25], [sflag:$0x1] =	stream.indirect_vreg.gather [hbm4b:s15+s3], $0x80, v2, vm0, $0xb8;
	[tilespmem:$0x1A000] =	vst v63  }
0x135: {  	s23 =	simm.s32 $0x8000  }
0x136: {  	[tilespmem:s23], [sflag:$0x1] =	stream.indirect_vreg.gather [hbm4b:s16+s3], $0x80, v2, vm0, $0xb8;
	[tilespmem:$0x1A000] =	vst v63  }
0x137: {  	s24 =	simm.s32 $0x8800  }
0x138: {  	[tilespmem:s24], [sflag:$0x1] =	stream.indirect_vreg.gather [hbm4b:s17+s3], $0x80, v2, vm0, $0xb8;
	[tilespmem:$0x1A000] =	vst v63  }
0x139: {  	s25 =	simm.s32 $0x9000  }
0x13a: {  	[tilespmem:s25], [sflag:$0x1] =	stream.indirect_vreg.gather [hbm4b:s18+s3], $0x80, v2, vm0, $0xb8;
	[tilespmem:$0x1A000] =	vst v63  }
0x13b: {  	s23 =	simm.s32 $0x9800  }
0x13c: {  	[tilespmem:s23], [sflag:$0x1] =	stream.indirect_vreg.gather [hbm4b:s19+s3], $0x80, v2, vm0, $0xb8;
	[tilespmem:$0x1A000] =	vst v63  }
0x13d: {  	_ =	swait.ge [sflag:s22], $0x8000  }
0x13e: {  	[sflag:s22] =	ssyncset.done $0x0  }
0x13f: {  	s24 =	rddreg [dreg:$0x6];
	[sflag:s22] =	ssyncadd.s32 $0xFFFF8000  }
0x140: {  	[hbm4b:s24+s3] =	stream.linear.scatter [tilespmem:s30], [sflag:$0x4], $0x8000, $0x38;
	[tilespmem:$0x1A000] =	vst v63  }
0x141: {  	_ =	swait.ge [sflag:s26], $0x8000  }
0x142: {  	[sflag:s26] =	ssyncset.done $0x0  }
0x143: {  	[sflag:s26] =	ssyncadd.s32 $0xFFFF8000  }
0x144: {  	_ =	swait.ge [sflag:s0], $0x8000  }
0x145: {  	[sflag:s0] =	ssyncset.done $0x0  }
0x146: {  	s25 =	rddreg [dreg:$0x8];
	[sflag:s0] =	ssyncadd.s32 $0xFFFF8000  }
0x147: {  	[hbm4b:s25+s3] =	stream.linear.scatter [tilespmem:s1], [sflag:$0x4], $0x8000, $0x38;
	[tilespmem:$0x1A000] =	vst v63  }
0x148: {  	_ =	swait.ge [sflag:s26], $0x8000  }
0x149: {  	[sflag:s26] =	ssyncset.done $0x0  }
0x14a: {  	[sflag:s26] =	ssyncadd.s32 $0xFFFF8000  }
0x14b: {  	_ =	swait.ge [sflag:s21], $0x8000  }
0x14c: {  	[sflag:s21] =	ssyncset.done $0x0  }
0x14d: {  	s23 =	rddreg [dreg:$0x9];
	[sflag:s21] =	ssyncadd.s32 $0xFFFF8000  }
0x14e: {  	[hbm4b:s23+s3] =	stream.linear.scatter [tilespmem:s20], [sflag:$0x4], $0x8000, $0x38;
	[tilespmem:$0x1A000] =	vst v63  }
0x14f: {  	_ =	swait.ge [sflag:s26], $0x8000  }
0x150: {  	s24 =	rddreg [dreg:$0xb]  }
0x151: {  	s25 =	rddreg [dreg:$0xa];
	s20 =	sadd.s32 $0x1, s24  }
0x152: {  	p0 =	sne.s32 s20, s25  }
.Ltmp1:
0x153: {  	_ = 	snop;
	(pc) =	sbr.rel @p0 .LBB2_1-.Ltmp1, $4  }
0x154: {  	s28 =	simm.s32 $0x2000  }
0x155: {  	s29 =	simm.s32 $0xD000;
	s31 =	simm.s32 $0xD800;
	[sflag:s26] =	ssyncset.done $0x0  }
0x156: {  	s23 =	simm.s32 $0xC800;
	[sflag:s26] =	ssyncadd.s32 $0xFFFF8000;
	s24 =	simm.s32 $0xB800  }
0x157: {  	[dreg:$0xb] =	wrdreg s20;
	s20 =	simm.s32 $0xB000;
	s25 =	simm.s32 $0xC000  }
0x158: {  	_ =	sfence.sel $0x180000  }
0x159: {  	[bflag:$0x0] =	sbarrier.arrive $0xFFFF  }
0x15a: {  	_ =	strace $0x90000047  }
0x15b: {  	s0 =	stileid.u32;
	[bflag:$0x2] =	sbarrier.arrive $0xFFFF  }
0x15c: {  	p0 =	sne.s32 s0, $0x0;
	s0 =	rddreg [dreg:$0x3]  }
0x15d: {  	s0 =	sadd.s32 @!p0 $0x100000, s0  }
0x15e: {  	[sflag:s0] =	ssyncadd.tile.s32 @!p0 $0x1;
	_ =	shalt  }
.Lfunc_end2:
_tile_overlayer_lowered:
.L_overlay_start_2:
0x15f: {  	(tag) =	ssettag $0x2  }
0x160: {  	s0 =	rddreg [dreg:$0x0];
	s2 =	stileid.u32  }
0x161: {  	s1 =	rddreg [dreg:$0x1];
	p0 =	sne.s32 s2, $0x0  }
0x162: {  	s3 =	rddreg [dreg:$0x2];
	[bflag:$0x3] =	sbarrier.arrive $0xFFFF;
	s2 =	simm.s32 @!p0 $0x1C04  }
0x163: {  	[timem:s3], [sflag:s2] =	dma.local @!p0 [hbm:s0], s1  }
0x164: {  	s0 =	simm.s32 @!p0 $0x4  }
0x165: {  	_ =	swait.ge @!p0 [sflag:s0], s1  }
0x166: {  	s1 =	ssub.s32 @!p0 $0x0, s1;
	[sflag:s0] =	ssyncset.done @!p0 $0x0  }
0x167: {  	[sflag:s0] =	ssyncadd.s32 @!p0 s1  }
0x168: {  	[bflag:$0x3] =	sbarrier.arrive $0xFFFF  }
0x169: {  	_ =	shalt  }

</sc_bundles>
